<compile_context>
chip_gen: v7x
topology: tpu7x:2x2x1
jax: 0.10.2.dev20260603
libtpu: 0.0.44.dev20260713+nightly
codegen_flags: <defaults>
</compile_context>

<pallas_src>
import functools

import jax
import jax.numpy as jnp
from jax import lax
from jax.experimental import pallas as pl
from jax.experimental.pallas import tpu as pltpu
from jax.experimental.pallas import tpu_sc as plsc

N = 10000
D = 128
H = 128
G = 256
K = 6
E = 320000

NC = 2
NS = 16
NW = NC * NS
CH = 96
NBUF = 2
CHUNKS = -(-E // (NW * CH * NBUF)) * NBUF
E_PAD = NW * CH * CHUNKS
E_TILE = CHUNKS * CH
N_DUMMY = N
N_PAD = ((N + 1 + 127) // 128) * 128
ZROWS = N_PAD // NS


def _sc_aggregate(h, src_p, dst_p, zeros_acc):
    mesh = plsc.VectorSubcoreMesh(core_axis_name="c", subcore_axis_name="s")

    @functools.partial(
        pl.kernel,
        out_type=jax.ShapeDtypeStruct((NC, N_PAD, H), jnp.float32),
        mesh=mesh,
        scratch_types=[
            pltpu.VMEM((E_TILE,), jnp.int32),
            pltpu.VMEM((CHUNKS, CH), jnp.int32),
            pltpu.VMEM((NBUF, CH, H), jnp.float32),
            pltpu.VMEM_SHARED((N_PAD, H), jnp.float32),
        ] + [pltpu.SemaphoreType.DMA] * NBUF,
    )
    def agg(h_hbm, src_hbm, dst_hbm, z_hbm, out_hbm, sidx_v, didx_v, rows_v,
            acc_sh, *gsem):
        cid = lax.axis_index("c")
        sid = lax.axis_index("s")
        wid = cid * NS + sid

        pltpu.sync_copy(z_hbm.at[pl.ds(sid * ZROWS, ZROWS)],
                        acc_sh.at[pl.ds(sid * ZROWS, ZROWS)])
        pltpu.sync_copy(src_hbm.at[wid], sidx_v)
        pltpu.sync_copy(dst_hbm.at[wid], didx_v)
        plsc.subcore_barrier()

        for b in range(NBUF):
            pltpu.async_copy(h_hbm.at[sidx_v.at[pl.ds(b * CH, CH)]],
                             rows_v.at[b], gsem[b])

        @pl.loop(0, CHUNKS, step=NBUF)
        def _chunk(j0):
            for b in range(NBUF):
                j = j0 + b
                pltpu.make_async_copy(
                    h_hbm.at[sidx_v.at[pl.ds(j * CH, CH)]],
                    rows_v.at[b], gsem[b]).wait()
                pltpu.sync_copy(rows_v.at[b], acc_sh.at[didx_v.at[j]],
                                add=True)

                @pl.when(j + NBUF < CHUNKS)
                def _():
                    pltpu.async_copy(
                        h_hbm.at[sidx_v.at[pl.ds((j + NBUF) * CH, CH)]],
                        rows_v.at[b], gsem[b])

        plsc.subcore_barrier()

        pltpu.sync_copy(acc_sh.at[pl.ds(sid * ZROWS, ZROWS)],
                        out_hbm.at[cid, pl.ds(sid * ZROWS, ZROWS)])

    return agg(h, src_p, dst_p, zeros_acc)


def _r(x):
    return x.astype(jnp.bfloat16).astype(jnp.float32)


def _hdot(a, b):
    return jnp.dot(a, b, preferred_element_type=jnp.float32,
                   precision=lax.Precision.HIGHEST)


def _tc_first(x_pad, w_nbr0):
    def body(x_ref, wn_ref, o_ref):
        o_ref[...] = _hdot(_r(x_ref[...]), _r(wn_ref[...]))

    return pl.pallas_call(
        body,
        out_shape=jax.ShapeDtypeStruct((N_PAD, H), jnp.float32),
    )(x_pad, w_nbr0)


def _tc_layer(acc2, h, w_self, b, w_nbr_next):
    def body(acc_ref, h_ref, ws_ref, b_ref, wn_ref, h_out, hw_out):
        agg = acc_ref[0] + acc_ref[1]
        o = jnp.maximum(
            agg + _hdot(_r(h_ref[...]), _r(ws_ref[...])) + b_ref[...], 0.0)
        row = lax.broadcasted_iota(jnp.int32, (N_PAD, H), 0)
        o = jnp.where(row < N, o, 0.0)
        h_out[...] = o
        hw_out[...] = _hdot(_r(o), _r(wn_ref[...]))

    return pl.pallas_call(
        body,
        out_shape=(jax.ShapeDtypeStruct((N_PAD, H), jnp.float32),
                   jax.ShapeDtypeStruct((N_PAD, H), jnp.float32)),
    )(acc2, h, w_self, b, w_nbr_next)


def _tc_final(acc2, h, w_self, b, att_w, att_b, batch2d, heads_w8, heads_b8):
    def body(acc_ref, h_ref, ws_ref, b_ref, aw_ref, ab_ref, batch_ref,
             hw_ref, hb_ref, o_ref):
        agg = acc_ref[0] + acc_ref[1]
        hv = jnp.maximum(
            agg + _hdot(_r(h_ref[...]), _r(ws_ref[...])) + b_ref[...], 0.0)
        row = lax.broadcasted_iota(jnp.int32, (N_PAD, H), 0)
        hv = jnp.where(row < N, hv, 0.0)
        s = _hdot(_r(hv), _r(aw_ref[...]))[:, 0] + ab_ref[0, 0]
        batch = batch_ref[0]
        valid = batch < G
        gids = lax.broadcasted_iota(jnp.int32, (G, N_PAD), 0)
        onehot = batch[None, :] == gids
        neg = jnp.float32(-jnp.inf)
        smax = jnp.max(jnp.where(onehot, s[None, :], neg), axis=1)
        smax_n = jnp.sum(jnp.where(onehot, smax[:, None], 0.0), axis=0)
        ex = jnp.where(valid, jnp.exp(s - smax_n), 0.0)
        denom = jnp.sum(jnp.where(onehot, ex[None, :], 0.0), axis=1)
        denom_n = jnp.sum(jnp.where(onehot, denom[:, None], 0.0), axis=0)
        alpha = jnp.where(valid, ex / jnp.maximum(denom_n, 1e-12), 0.0)
        m = onehot.astype(jnp.float32)
        pooled = _hdot(m, alpha[:, None] * hv)
        o_ref[...] = _hdot(_r(hw_ref[...]), _r(pooled).T) + hb_ref[...]

    return pl.pallas_call(
        body,
        out_shape=jax.ShapeDtypeStruct((8, G), jnp.float32),
    )(acc2, h, w_self, b, att_w, att_b, batch2d, heads_w8, heads_b8)


def kernel(x, edge_index, batch, params):
    src, dst = edge_index[0], edge_index[1]
    pad = E_PAD - E
    src_p = jnp.concatenate(
        [src, jnp.zeros((pad,), jnp.int32)]).reshape(NW, E_TILE)
    pad_dst = N_DUMMY + jnp.arange(pad, dtype=jnp.int32) % (N_PAD - N_DUMMY)
    dst_p = jnp.concatenate([dst, pad_dst]).reshape(NW, CHUNKS, CH)
    zeros_acc = jnp.zeros((N_PAD, H), jnp.float32)

    layers = params["layers"]
    h = jnp.zeros((N_PAD, H), jnp.float32).at[:N].set(x)
    hw = _tc_first(h, layers[0]["W_nbr"])
    for i in range(len(layers) - 1):
        acc2 = _sc_aggregate(hw, src_p, dst_p, zeros_acc)
        h, hw = _tc_layer(acc2, h, layers[i]["W_self"],
                          layers[i]["b"].reshape(1, H),
                          layers[i + 1]["W_nbr"])
    acc2 = _sc_aggregate(hw, src_p, dst_p, zeros_acc)

    att_w = params["att_w"].reshape(H, 1)
    att_b = params["att_b"].reshape(1, 1)
    batch2d = jnp.full((1, N_PAD), G, jnp.int32).at[0, :N].set(batch)
    heads_w8 = jnp.zeros((8, H), jnp.float32).at[:K].set(params["heads_W"])
    heads_b8 = jnp.zeros((8, 1), jnp.float32).at[:K, 0].set(params["heads_b"])
    out8 = _tc_final(acc2, h, layers[-1]["W_self"],
                     layers[-1]["b"].reshape(1, H),
                     att_w, att_b, batch2d, heads_w8, heads_b8)
    return out8[:K]

# --- scband reference (transcript-rebuilt; emitter-appended) ---
"""Pipeline reference for scband-multi-task-admetpredictor-67585605370468 (READ-ONLY COPY).

The authoritative reference and input builder live on the scoring server;
editing this copy changes nothing except your own understanding.
"""

import jax, jax.numpy as jnp
import numpy as np

N = 10000
E = 320000
D = 128
H = 128
L = 3
G = 256
ENDPOINTS = ["solubility", "caco2_permeability", "clearance", "herg_inhibition", "cyp3a4_inhibition", "oral_bioavailability"]
K = len(ENDPOINTS)


def setup_inputs(seed: int = 0):
    key = jax.random.key(seed)
    ks = jax.random.split(key, 3 + 3 * L + 2)
    x = jax.random.normal(ks[0], (N, D), dtype=jnp.float32)
    edge_index = jax.random.randint(ks[1], (2, E), 0, N, dtype=jnp.int32)
    batch = jnp.sort(jax.random.randint(ks[2], (N,), 0, G, dtype=jnp.int32))
    layers = []
    for i in range(L):
        d_in = D if i == 0 else H
        layers.append({
            "W_self": jax.random.normal(ks[3 + 3 * i], (d_in, H), dtype=jnp.float32) * 0.05,
            "W_nbr": jax.random.normal(ks[4 + 3 * i], (d_in, H), dtype=jnp.float32) * 0.05,
            "b": jnp.zeros((H,), dtype=jnp.float32),
        })
    params = {
        "layers": layers,
        "att_w": jax.random.normal(ks[3 + 3 * L], (H,), dtype=jnp.float32) * 0.05,
        "att_b": jnp.zeros((), dtype=jnp.float32),
        "heads_W": jax.random.normal(ks[4 + 3 * L], (K, H), dtype=jnp.float32) * 0.05,
        "heads_b": jnp.zeros((K,), dtype=jnp.float32),
    }
    return {"x": x, "edge_index": edge_index, "batch": batch, "params": params}


def _forward(x, params, edge_index, batch):
    src, dst = edge_index[0], edge_index[1]
    h = x
    # GNNEncoder: L message-passing layers (neighbor gather -> scatter-add -> self transform -> relu)
    for layer in params["layers"]:
        msg = h[src] @ layer["W_nbr"]
        agg = jax.ops.segment_sum(msg, dst, num_segments=N)
        h = jax.nn.relu(agg + h @ layer["W_self"] + layer["b"])
        # dropout is identity in eval mode
    # AttentionPooling: per-graph softmax-weighted sum over nodes
    s = h @ params["att_w"] + params["att_b"]
    smax = jax.ops.segment_max(s, batch, num_segments=G)
    ex = jnp.exp(s - smax[batch])
    denom = jax.ops.segment_sum(ex, batch, num_segments=G)
    alpha = ex / jnp.maximum(denom[batch], 1e-12)
    pooled = jax.ops.segment_sum(alpha[:, None] * h, batch, num_segments=G)
    # per-endpoint linear heads, squeezed; stacked as [K, G] (dict order = ENDPOINTS)
    out = pooled @ params["heads_W"].T + params["heads_b"]
    return out.T


def reference(x, edge_index, batch, params):
    return _forward(x, params, edge_index, batch)

if __name__ == "__main__":
    import jax
    _d = setup_inputs()
    print(jax.jit(kernel)(*tuple(_d.values())))

</pallas_src>

<mosaic_0001>
#map = affine_map<(d0, d1) -> (0, 0)>
#map1 = affine_map<(d0, d1) -> (0, 0, 0)>
module attributes {stable_mosaic.version = 14 : i64} {
  func.func @agg(%arg0: i32, %arg1: i32, %arg2: memref<10112x128xf32, #tpu.memory_space<hbm>>, %arg3: memref<32x10176xi32, #tpu.memory_space<hbm>>, %arg4: memref<32x106x96xi32, #tpu.memory_space<hbm>>, %arg5: memref<10112x128xf32, #tpu.memory_space<hbm>>, %arg6: memref<2x10112x128xf32, #tpu.memory_space<hbm>>, %arg7: memref<10176xi32, #tpu.memory_space<vmem>>, %arg8: memref<106x96xi32, #tpu.memory_space<vmem>>, %arg9: memref<2x96x128xf32, #tpu.memory_space<vmem>>, %arg10: memref<10112x128xf32, #tpu.memory_space<vmem_shared>>, %arg11: memref<!tpu.dma_semaphore, #tpu.memory_space<semaphore_mem>>, %arg12: memref<!tpu.dma_semaphore, #tpu.memory_space<semaphore_mem>>) attributes {dimension_semantics = [#tpu.dimension_semantics<core_parallel>, #tpu.dimension_semantics<subcore_parallel>], iteration_bounds = array<i64: 2, 16>, scalar_prefetch = 0 : i64, scratch_operands = 6 : i64, tpu.core_type = #tpu.core_type<sc_vector_subcore>, window_params = [{transform_indices = #map}, {transform_indices = #map}, {transform_indices = #map1}, {transform_indices = #map}, {transform_indices = #map1}]} {
    %mul3A = arith.constant 16 : i32
    %mul3A_0 = arith.muli %arg0, %mul3A : i32
    %add3A = arith.addi %mul3A_0, %arg1 : i32
    %mul3A_1 = arith.constant 632 : i32
    %mul3A_2 = arith.muli %arg1, %mul3A_1 : i32
    %mul3A_3 = arith.constant 632 : i32
    %mul3A_4 = arith.muli %arg1, %mul3A_3 : i32
    "tpu.region"() ({
      %run_scoped3A = tpu.sem_alloc : memref<!tpu.dma_semaphore, #tpu.memory_space<semaphore_mem>>
      %dma_start3A_33 = arith.constant 0 : i32
      %dma_start3A_34 = tpu.memref_slice %arg10[%mul3A_4, %dma_start3A_33] : memref<10112x128xf32, #tpu.memory_space<vmem_shared>> -> memref<632x128xf32, #tpu.memory_space<vmem_shared>>
      %dma_start3A_35 = arith.constant 0 : i32
      %dma_start3A_36 = tpu.memref_slice %arg5[%mul3A_2, %dma_start3A_35] : memref<10112x128xf32, #tpu.memory_space<hbm>> -> memref<632x128xf32, #tpu.memory_space<hbm>>
      tpu.enqueue_dma source(%dma_start3A_36 : memref<632x128xf32, #tpu.memory_space<hbm>>) target(%dma_start3A_34 : memref<632x128xf32, #tpu.memory_space<vmem_shared>>) target_semaphore(%run_scoped3A : memref<!tpu.dma_semaphore, #tpu.memory_space<semaphore_mem>>)
      %dma_wait3A = arith.constant 0 : i32
      %dma_wait3A_37 = tpu.memref_slice %arg10[%mul3A_4, %dma_wait3A] : memref<10112x128xf32, #tpu.memory_space<vmem_shared>> -> memref<632x128xf32, #tpu.memory_space<vmem_shared>>
      %dma_wait3A_38 = arith.constant 0 : i32
      %dma_wait3A_39 = tpu.memref_slice %arg5[%mul3A_2, %dma_wait3A_38] : memref<10112x128xf32, #tpu.memory_space<hbm>> -> memref<632x128xf32, #tpu.memory_space<hbm>>
      tpu.wait_dma2 semaphore(%run_scoped3A : memref<!tpu.dma_semaphore, #tpu.memory_space<semaphore_mem>>) src(%dma_wait3A_39 : memref<632x128xf32, #tpu.memory_space<hbm>>) dst(%dma_wait3A_37 : memref<632x128xf32, #tpu.memory_space<vmem_shared>>)
      tpu.yield
    }) : () -> ()
    "tpu.region"() ({
      %run_scoped3A = tpu.sem_alloc : memref<!tpu.dma_semaphore, #tpu.memory_space<semaphore_mem>>
      %dma_start3A_33 = arith.constant 0 : i32
      %dma_start3A_34 = tpu.memref_slice %arg3[%add3A, %dma_start3A_33] : memref<32x10176xi32, #tpu.memory_space<hbm>> -> memref<1x10176xi32, #tpu.memory_space<hbm>>
      %dma_start3A_35 = tpu.memref_squeeze %dma_start3A_34 : memref<1x10176xi32, #tpu.memory_space<hbm>> -> memref<10176xi32, #tpu.memory_space<hbm>>
      %dma_start3A_36 = arith.constant 0 : i32
      %dma_start3A_37 = tpu.memref_slice %arg3[%add3A, %dma_start3A_36] : memref<32x10176xi32, #tpu.memory_space<hbm>> -> memref<1x10176xi32, #tpu.memory_space<hbm>>
      %dma_start3A_38 = tpu.memref_squeeze %dma_start3A_37 : memref<1x10176xi32, #tpu.memory_space<hbm>> -> memref<10176xi32, #tpu.memory_space<hbm>>
      tpu.enqueue_dma source(%dma_start3A_38 : memref<10176xi32, #tpu.memory_space<hbm>>) target(%arg7 : memref<10176xi32, #tpu.memory_space<vmem>>) target_semaphore(%run_scoped3A : memref<!tpu.dma_semaphore, #tpu.memory_space<semaphore_mem>>)
      %dma_wait3A = arith.constant 0 : i32
      %dma_wait3A_39 = tpu.memref_slice %arg3[%add3A, %dma_wait3A] : memref<32x10176xi32, #tpu.memory_space<hbm>> -> memref<1x10176xi32, #tpu.memory_space<hbm>>
      %dma_wait3A_40 = tpu.memref_squeeze %dma_wait3A_39 : memref<1x10176xi32, #tpu.memory_space<hbm>> -> memref<10176xi32, #tpu.memory_space<hbm>>
      %dma_wait3A_41 = arith.constant 0 : i32
      %dma_wait3A_42 = tpu.memref_slice %arg3[%add3A, %dma_wait3A_41] : memref<32x10176xi32, #tpu.memory_space<hbm>> -> memref<1x10176xi32, #tpu.memory_space<hbm>>
      %dma_wait3A_43 = tpu.memref_squeeze %dma_wait3A_42 : memref<1x10176xi32, #tpu.memory_space<hbm>> -> memref<10176xi32, #tpu.memory_space<hbm>>
      tpu.wait_dma2 semaphore(%run_scoped3A : memref<!tpu.dma_semaphore, #tpu.memory_space<semaphore_mem>>) src(%dma_wait3A_43 : memref<10176xi32, #tpu.memory_space<hbm>>) dst(%arg7 : memref<10176xi32, #tpu.memory_space<vmem>>)
      tpu.yield
    }) : () -> ()
    "tpu.region"() ({
      %run_scoped3A = tpu.sem_alloc : memref<!tpu.dma_semaphore, #tpu.memory_space<semaphore_mem>>
      %dma_start3A_33 = arith.constant 0 : i32
      %dma_start3A_34 = arith.constant 0 : i32
      %dma_start3A_35 = tpu.memref_slice %arg4[%add3A, %dma_start3A_33, %dma_start3A_34] : memref<32x106x96xi32, #tpu.memory_space<hbm>> -> memref<1x106x96xi32, #tpu.memory_space<hbm>>
      %dma_start3A_36 = tpu.memref_squeeze %dma_start3A_35 : memref<1x106x96xi32, #tpu.memory_space<hbm>> -> memref<106x96xi32, #tpu.memory_space<hbm>>
      %dma_start3A_37 = arith.constant 0 : i32
      %dma_start3A_38 = arith.constant 0 : i32
      %dma_start3A_39 = tpu.memref_slice %arg4[%add3A, %dma_start3A_37, %dma_start3A_38] : memref<32x106x96xi32, #tpu.memory_space<hbm>> -> memref<1x106x96xi32, #tpu.memory_space<hbm>>
      %dma_start3A_40 = tpu.memref_squeeze %dma_start3A_39 : memref<1x106x96xi32, #tpu.memory_space<hbm>> -> memref<106x96xi32, #tpu.memory_space<hbm>>
      tpu.enqueue_dma source(%dma_start3A_40 : memref<106x96xi32, #tpu.memory_space<hbm>>) target(%arg8 : memref<106x96xi32, #tpu.memory_space<vmem>>) target_semaphore(%run_scoped3A : memref<!tpu.dma_semaphore, #tpu.memory_space<semaphore_mem>>)
      %dma_wait3A = arith.constant 0 : i32
      %dma_wait3A_41 = arith.constant 0 : i32
      %dma_wait3A_42 = tpu.memref_slice %arg4[%add3A, %dma_wait3A, %dma_wait3A_41] : memref<32x106x96xi32, #tpu.memory_space<hbm>> -> memref<1x106x96xi32, #tpu.memory_space<hbm>>
      %dma_wait3A_43 = tpu.memref_squeeze %dma_wait3A_42 : memref<1x106x96xi32, #tpu.memory_space<hbm>> -> memref<106x96xi32, #tpu.memory_space<hbm>>
      %dma_wait3A_44 = arith.constant 0 : i32
      %dma_wait3A_45 = arith.constant 0 : i32
      %dma_wait3A_46 = tpu.memref_slice %arg4[%add3A, %dma_wait3A_44, %dma_wait3A_45] : memref<32x106x96xi32, #tpu.memory_space<hbm>> -> memref<1x106x96xi32, #tpu.memory_space<hbm>>
      %dma_wait3A_47 = tpu.memref_squeeze %dma_wait3A_46 : memref<1x106x96xi32, #tpu.memory_space<hbm>> -> memref<106x96xi32, #tpu.memory_space<hbm>>
      tpu.wait_dma2 semaphore(%run_scoped3A : memref<!tpu.dma_semaphore, #tpu.memory_space<semaphore_mem>>) src(%dma_wait3A_47 : memref<106x96xi32, #tpu.memory_space<hbm>>) dst(%arg8 : memref<106x96xi32, #tpu.memory_space<vmem>>)
      tpu.yield
    }) : () -> ()
    %barrier3A = arith.constant 0 : index
    tpu.barrier barrier_id(%barrier3A)
    %dma_start3A = arith.constant 0 : i32
    %dma_start3A_5 = arith.constant 0 : i32
    %dma_start3A_6 = arith.constant 0 : i32
    %dma_start3A_7 = tpu.memref_slice %arg9[%dma_start3A, %dma_start3A_5, %dma_start3A_6] : memref<2x96x128xf32, #tpu.memory_space<vmem>> -> memref<1x96x128xf32, #tpu.memory_space<vmem>>
    %dma_start3A_8 = tpu.memref_squeeze %dma_start3A_7 : memref<1x96x128xf32, #tpu.memory_space<vmem>> -> memref<96x128xf32, #tpu.memory_space<vmem>>
    %dma_start3A_9 = arith.constant 0 : i32
    %dma_start3A_10 = tpu.memref_slice %arg7[%dma_start3A_9] : memref<10176xi32, #tpu.memory_space<vmem>> -> memref<96xi32, #tpu.memory_space<vmem>>
    %dma_start3A_11 = arith.constant 0 : i32
    %dma_start3A_12 = arith.constant 0 : i32
    %dma_start3A_13 = tpu.memref_slice %arg2[%dma_start3A_11, %dma_start3A_12] : memref<10112x128xf32, #tpu.memory_space<hbm>> -> memref<10112x128xf32, #tpu.memory_space<hbm>>
    tpu.enqueue_indirect_dma source(%dma_start3A_13 : memref<10112x128xf32, #tpu.memory_space<hbm>>) target(%dma_start3A_8 : memref<96x128xf32, #tpu.memory_space<vmem>>) offsets(%dma_start3A_10 : memref<96xi32, #tpu.memory_space<vmem>>) semaphore(%arg11 : memref<!tpu.dma_semaphore, #tpu.memory_space<semaphore_mem>>)
    %dma_start3A_14 = arith.constant 1 : i32
    %dma_start3A_15 = arith.constant 0 : i32
    %dma_start3A_16 = arith.constant 0 : i32
    %dma_start3A_17 = tpu.memref_slice %arg9[%dma_start3A_14, %dma_start3A_15, %dma_start3A_16] : memref<2x96x128xf32, #tpu.memory_space<vmem>> -> memref<1x96x128xf32, #tpu.memory_space<vmem>>
    %dma_start3A_18 = tpu.memref_squeeze %dma_start3A_17 : memref<1x96x128xf32, #tpu.memory_space<vmem>> -> memref<96x128xf32, #tpu.memory_space<vmem>>
    %dma_start3A_19 = arith.constant 96 : i32
    %dma_start3A_20 = tpu.memref_slice %arg7[%dma_start3A_19] : memref<10176xi32, #tpu.memory_space<vmem>> -> memref<96xi32, #tpu.memory_space<vmem>>
    %dma_start3A_21 = arith.constant 0 : i32
    %dma_start3A_22 = arith.constant 0 : i32
    %dma_start3A_23 = tpu.memref_slice %arg2[%dma_start3A_21, %dma_start3A_22] : memref<10112x128xf32, #tpu.memory_space<hbm>> -> memref<10112x128xf32, #tpu.memory_space<hbm>>
    tpu.enqueue_indirect_dma source(%dma_start3A_23 : memref<10112x128xf32, #tpu.memory_space<hbm>>) target(%dma_start3A_18 : memref<96x128xf32, #tpu.memory_space<vmem>>) offsets(%dma_start3A_20 : memref<96xi32, #tpu.memory_space<vmem>>) semaphore(%arg12 : memref<!tpu.dma_semaphore, #tpu.memory_space<semaphore_mem>>)
    %scan3A = arith.constant 0 : i32
    %scan3A_24 = arith.constant 53 : i32
    %scan3A_25 = arith.addi %scan3A, %scan3A_24 : i32
    %scan3A_26 = arith.constant 1 : i32
    scf.for %scan3A_33 = %scan3A to %scan3A_25 step %scan3A_26  : i32 {
      %mul3A_34 = arith.constant 2 : i32
      %mul3A_35 = arith.muli %scan3A_33, %mul3A_34 : i32
      %add3A_36 = arith.constant 0 : i32
      %add3A_37 = arith.addi %add3A_36, %mul3A_35 : i32
      %add3A_38 = arith.constant 0 : i32
      %add3A_39 = arith.addi %add3A_37, %add3A_38 : i32
      %mul3A_40 = arith.constant 96 : i32
      %mul3A_41 = arith.muli %add3A_39, %mul3A_40 : i32
      %dma_wait3A = arith.constant 0 : i32
      %dma_wait3A_42 = arith.constant 0 : i32
      %dma_wait3A_43 = arith.constant 0 : i32
      %dma_wait3A_44 = tpu.memref_slice %arg9[%dma_wait3A, %dma_wait3A_42, %dma_wait3A_43] : memref<2x96x128xf32, #tpu.memory_space<vmem>> -> memref<1x96x128xf32, #tpu.memory_space<vmem>>
      %dma_wait3A_45 = tpu.memref_squeeze %dma_wait3A_44 : memref<1x96x128xf32, #tpu.memory_space<vmem>> -> memref<96x128xf32, #tpu.memory_space<vmem>>
      %dma_wait3A_46 = tpu.memref_slice %arg7[%mul3A_41] : memref<10176xi32, #tpu.memory_space<vmem>> -> memref<96xi32, #tpu.memory_space<vmem>>
      %dma_wait3A_47 = arith.constant 0 : i32
      %dma_wait3A_48 = arith.constant 0 : i32
      %dma_wait3A_49 = tpu.memref_slice %arg2[%dma_wait3A_47, %dma_wait3A_48] : memref<10112x128xf32, #tpu.memory_space<hbm>> -> memref<10112x128xf32, #tpu.memory_space<hbm>>
      tpu.wait_indirect_dma semaphore(%arg11 : memref<!tpu.dma_semaphore, #tpu.memory_space<semaphore_mem>>) src(%dma_wait3A_49 : memref<10112x128xf32, #tpu.memory_space<hbm>>) dst(%dma_wait3A_45 : memref<96x128xf32, #tpu.memory_space<vmem>>)
      %run_scoped3A = arith.constant 0 : i32
      "tpu.region"() ({
        %run_scoped3A_75 = tpu.sem_alloc : memref<!tpu.dma_semaphore, #tpu.memory_space<semaphore_mem>>
        %dma_start3A_76 = arith.constant 0 : i32
        %dma_start3A_77 = arith.constant 0 : i32
        %dma_start3A_78 = tpu.memref_slice %arg9[%run_scoped3A, %dma_start3A_76, %dma_start3A_77] : memref<2x96x128xf32, #tpu.memory_space<vmem>> -> memref<1x96x128xf32, #tpu.memory_space<vmem>>
        %dma_start3A_79 = tpu.memref_squeeze %dma_start3A_78 : memref<1x96x128xf32, #tpu.memory_space<vmem>> -> memref<96x128xf32, #tpu.memory_space<vmem>>
        %dma_start3A_80 = arith.constant 0 : i32
        %dma_start3A_81 = tpu.memref_slice %arg8[%add3A_39, %dma_start3A_80] : memref<106x96xi32, #tpu.memory_space<vmem>> -> memref<1x96xi32, #tpu.memory_space<vmem>>
        %dma_start3A_82 = tpu.memref_squeeze %dma_start3A_81 : memref<1x96xi32, #tpu.memory_space<vmem>> -> memref<96xi32, #tpu.memory_space<vmem>>
        %dma_start3A_83 = arith.constant 0 : i32
        %dma_start3A_84 = arith.constant 0 : i32
        %dma_start3A_85 = tpu.memref_slice %arg10[%dma_start3A_83, %dma_start3A_84] : memref<10112x128xf32, #tpu.memory_space<vmem_shared>> -> memref<10112x128xf32, #tpu.memory_space<vmem_shared>>
        tpu.enqueue_indirect_dma source(%dma_start3A_79 : memref<96x128xf32, #tpu.memory_space<vmem>>) target(%dma_start3A_85 : memref<10112x128xf32, #tpu.memory_space<vmem_shared>>) offsets(%dma_start3A_82 : memref<96xi32, #tpu.memory_space<vmem>>) semaphore(%run_scoped3A_75 : memref<!tpu.dma_semaphore, #tpu.memory_space<semaphore_mem>>) {add = true}
        %dma_wait3A_86 = arith.constant 0 : i32
        %dma_wait3A_87 = arith.constant 0 : i32
        %dma_wait3A_88 = tpu.memref_slice %arg9[%run_scoped3A, %dma_wait3A_86, %dma_wait3A_87] : memref<2x96x128xf32, #tpu.memory_space<vmem>> -> memref<1x96x128xf32, #tpu.memory_space<vmem>>
        %dma_wait3A_89 = tpu.memref_squeeze %dma_wait3A_88 : memref<1x96x128xf32, #tpu.memory_space<vmem>> -> memref<96x128xf32, #tpu.memory_space<vmem>>
        %dma_wait3A_90 = arith.constant 0 : i32
        %dma_wait3A_91 = tpu.memref_slice %arg8[%add3A_39, %dma_wait3A_90] : memref<106x96xi32, #tpu.memory_space<vmem>> -> memref<1x96xi32, #tpu.memory_space<vmem>>
        %dma_wait3A_92 = tpu.memref_squeeze %dma_wait3A_91 : memref<1x96xi32, #tpu.memory_space<vmem>> -> memref<96xi32, #tpu.memory_space<vmem>>
        %dma_wait3A_93 = arith.constant 0 : i32
        %dma_wait3A_94 = arith.constant 0 : i32
        %dma_wait3A_95 = tpu.memref_slice %arg10[%dma_wait3A_93, %dma_wait3A_94] : memref<10112x128xf32, #tpu.memory_space<vmem_shared>> -> memref<10112x128xf32, #tpu.memory_space<vmem_shared>>
        tpu.wait_indirect_dma semaphore(%run_scoped3A_75 : memref<!tpu.dma_semaphore, #tpu.memory_space<semaphore_mem>>) src(%dma_wait3A_89 : memref<96x128xf32, #tpu.memory_space<vmem>>) dst(%dma_wait3A_95 : memref<10112x128xf32, #tpu.memory_space<vmem_shared>>)
        tpu.yield
      }) : () -> ()
      %add3A_50 = arith.constant 2 : i32
      %add3A_51 = arith.addi %add3A_39, %add3A_50 : i32
      %lt3A = arith.constant 106 : i32
      %lt3A_52 = arith.cmpi slt, %add3A_51, %lt3A : i32
      %convert_element_type3A = arith.extui %lt3A_52 : i1 to i32
      %cond3A = arith.constant 0 : i32
      %cond3A_53 = arith.cmpi ne, %convert_element_type3A, %cond3A : i32
      scf.if %cond3A_53 {
        %add3A_75 = arith.constant 2 : i32
        %add3A_76 = arith.addi %add3A_39, %add3A_75 : i32
        %mul3A_77 = arith.constant 96 : i32
        %mul3A_78 = arith.muli %add3A_76, %mul3A_77 : i32
        %dma_start3A_79 = arith.constant 0 : i32
        %dma_start3A_80 = arith.constant 0 : i32
        %dma_start3A_81 = arith.constant 0 : i32
        %dma_start3A_82 = tpu.memref_slice %arg9[%dma_start3A_79, %dma_start3A_80, %dma_start3A_81] : memref<2x96x128xf32, #tpu.memory_space<vmem>> -> memref<1x96x128xf32, #tpu.memory_space<vmem>>
        %dma_start3A_83 = tpu.memref_squeeze %dma_start3A_82 : memref<1x96x128xf32, #tpu.memory_space<vmem>> -> memref<96x128xf32, #tpu.memory_space<vmem>>
        %dma_start3A_84 = tpu.memref_slice %arg7[%mul3A_78] : memref<10176xi32, #tpu.memory_space<vmem>> -> memref<96xi32, #tpu.memory_space<vmem>>
        %dma_start3A_85 = arith.constant 0 : i32
        %dma_start3A_86 = arith.constant 0 : i32
        %dma_start3A_87 = tpu.memref_slice %arg2[%dma_start3A_85, %dma_start3A_86] : memref<10112x128xf32, #tpu.memory_space<hbm>> -> memref<10112x128xf32, #tpu.memory_space<hbm>>
        tpu.enqueue_indirect_dma source(%dma_start3A_87 : memref<10112x128xf32, #tpu.memory_space<hbm>>) target(%dma_start3A_83 : memref<96x128xf32, #tpu.memory_space<vmem>>) offsets(%dma_start3A_84 : memref<96xi32, #tpu.memory_space<vmem>>) semaphore(%arg11 : memref<!tpu.dma_semaphore, #tpu.memory_space<semaphore_mem>>)
      } else {
      }
      %add3A_54 = arith.constant 1 : i32
      %add3A_55 = arith.addi %add3A_37, %add3A_54 : i32
      %mul3A_56 = arith.constant 96 : i32
      %mul3A_57 = arith.muli %add3A_55, %mul3A_56 : i32
      %dma_wait3A_58 = arith.constant 1 : i32
      %dma_wait3A_59 = arith.constant 0 : i32
      %dma_wait3A_60 = arith.constant 0 : i32
      %dma_wait3A_61 = tpu.memref_slice %arg9[%dma_wait3A_58, %dma_wait3A_59, %dma_wait3A_60] : memref<2x96x128xf32, #tpu.memory_space<vmem>> -> memref<1x96x128xf32, #tpu.memory_space<vmem>>
      %dma_wait3A_62 = tpu.memref_squeeze %dma_wait3A_61 : memref<1x96x128xf32, #tpu.memory_space<vmem>> -> memref<96x128xf32, #tpu.memory_space<vmem>>
      %dma_wait3A_63 = tpu.memref_slice %arg7[%mul3A_57] : memref<10176xi32, #tpu.memory_space<vmem>> -> memref<96xi32, #tpu.memory_space<vmem>>
      %dma_wait3A_64 = arith.constant 0 : i32
      %dma_wait3A_65 = arith.constant 0 : i32
      %dma_wait3A_66 = tpu.memref_slice %arg2[%dma_wait3A_64, %dma_wait3A_65] : memref<10112x128xf32, #tpu.memory_space<hbm>> -> memref<10112x128xf32, #tpu.memory_space<hbm>>
      tpu.wait_indirect_dma semaphore(%arg12 : memref<!tpu.dma_semaphore, #tpu.memory_space<semaphore_mem>>) src(%dma_wait3A_66 : memref<10112x128xf32, #tpu.memory_space<hbm>>) dst(%dma_wait3A_62 : memref<96x128xf32, #tpu.memory_space<vmem>>)
      %run_scoped3A_67 = arith.constant 1 : i32
      "tpu.region"() ({
        %run_scoped3A_75 = tpu.sem_alloc : memref<!tpu.dma_semaphore, #tpu.memory_space<semaphore_mem>>
        %dma_start3A_76 = arith.constant 0 : i32
        %dma_start3A_77 = arith.constant 0 : i32
        %dma_start3A_78 = tpu.memref_slice %arg9[%run_scoped3A_67, %dma_start3A_76, %dma_start3A_77] : memref<2x96x128xf32, #tpu.memory_space<vmem>> -> memref<1x96x128xf32, #tpu.memory_space<vmem>>
        %dma_start3A_79 = tpu.memref_squeeze %dma_start3A_78 : memref<1x96x128xf32, #tpu.memory_space<vmem>> -> memref<96x128xf32, #tpu.memory_space<vmem>>
        %dma_start3A_80 = arith.constant 0 : i32
        %dma_start3A_81 = tpu.memref_slice %arg8[%add3A_55, %dma_start3A_80] : memref<106x96xi32, #tpu.memory_space<vmem>> -> memref<1x96xi32, #tpu.memory_space<vmem>>
        %dma_start3A_82 = tpu.memref_squeeze %dma_start3A_81 : memref<1x96xi32, #tpu.memory_space<vmem>> -> memref<96xi32, #tpu.memory_space<vmem>>
        %dma_start3A_83 = arith.constant 0 : i32
        %dma_start3A_84 = arith.constant 0 : i32
        %dma_start3A_85 = tpu.memref_slice %arg10[%dma_start3A_83, %dma_start3A_84] : memref<10112x128xf32, #tpu.memory_space<vmem_shared>> -> memref<10112x128xf32, #tpu.memory_space<vmem_shared>>
        tpu.enqueue_indirect_dma source(%dma_start3A_79 : memref<96x128xf32, #tpu.memory_space<vmem>>) target(%dma_start3A_85 : memref<10112x128xf32, #tpu.memory_space<vmem_shared>>) offsets(%dma_start3A_82 : memref<96xi32, #tpu.memory_space<vmem>>) semaphore(%run_scoped3A_75 : memref<!tpu.dma_semaphore, #tpu.memory_space<semaphore_mem>>) {add = true}
        %dma_wait3A_86 = arith.constant 0 : i32
        %dma_wait3A_87 = arith.constant 0 : i32
        %dma_wait3A_88 = tpu.memref_slice %arg9[%run_scoped3A_67, %dma_wait3A_86, %dma_wait3A_87] : memref<2x96x128xf32, #tpu.memory_space<vmem>> -> memref<1x96x128xf32, #tpu.memory_space<vmem>>
        %dma_wait3A_89 = tpu.memref_squeeze %dma_wait3A_88 : memref<1x96x128xf32, #tpu.memory_space<vmem>> -> memref<96x128xf32, #tpu.memory_space<vmem>>
        %dma_wait3A_90 = arith.constant 0 : i32
        %dma_wait3A_91 = tpu.memref_slice %arg8[%add3A_55, %dma_wait3A_90] : memref<106x96xi32, #tpu.memory_space<vmem>> -> memref<1x96xi32, #tpu.memory_space<vmem>>
        %dma_wait3A_92 = tpu.memref_squeeze %dma_wait3A_91 : memref<1x96xi32, #tpu.memory_space<vmem>> -> memref<96xi32, #tpu.memory_space<vmem>>
        %dma_wait3A_93 = arith.constant 0 : i32
        %dma_wait3A_94 = arith.constant 0 : i32
        %dma_wait3A_95 = tpu.memref_slice %arg10[%dma_wait3A_93, %dma_wait3A_94] : memref<10112x128xf32, #tpu.memory_space<vmem_shared>> -> memref<10112x128xf32, #tpu.memory_space<vmem_shared>>
        tpu.wait_indirect_dma semaphore(%run_scoped3A_75 : memref<!tpu.dma_semaphore, #tpu.memory_space<semaphore_mem>>) src(%dma_wait3A_89 : memref<96x128xf32, #tpu.memory_space<vmem>>) dst(%dma_wait3A_95 : memref<10112x128xf32, #tpu.memory_space<vmem_shared>>)
        tpu.yield
      }) : () -> ()
      %add3A_68 = arith.constant 2 : i32
      %add3A_69 = arith.addi %add3A_55, %add3A_68 : i32
      %lt3A_70 = arith.constant 106 : i32
      %lt3A_71 = arith.cmpi slt, %add3A_69, %lt3A_70 : i32
      %convert_element_type3A_72 = arith.extui %lt3A_71 : i1 to i32
      %cond3A_73 = arith.constant 0 : i32
      %cond3A_74 = arith.cmpi ne, %convert_element_type3A_72, %cond3A_73 : i32
      scf.if %cond3A_74 {
        %add3A_75 = arith.constant 2 : i32
        %add3A_76 = arith.addi %add3A_55, %add3A_75 : i32
        %mul3A_77 = arith.constant 96 : i32
        %mul3A_78 = arith.muli %add3A_76, %mul3A_77 : i32
        %dma_start3A_79 = arith.constant 1 : i32
        %dma_start3A_80 = arith.constant 0 : i32
        %dma_start3A_81 = arith.constant 0 : i32
        %dma_start3A_82 = tpu.memref_slice %arg9[%dma_start3A_79, %dma_start3A_80, %dma_start3A_81] : memref<2x96x128xf32, #tpu.memory_space<vmem>> -> memref<1x96x128xf32, #tpu.memory_space<vmem>>
        %dma_start3A_83 = tpu.memref_squeeze %dma_start3A_82 : memref<1x96x128xf32, #tpu.memory_space<vmem>> -> memref<96x128xf32, #tpu.memory_space<vmem>>
        %dma_start3A_84 = tpu.memref_slice %arg7[%mul3A_78] : memref<10176xi32, #tpu.memory_space<vmem>> -> memref<96xi32, #tpu.memory_space<vmem>>
        %dma_start3A_85 = arith.constant 0 : i32
        %dma_start3A_86 = arith.constant 0 : i32
        %dma_start3A_87 = tpu.memref_slice %arg2[%dma_start3A_85, %dma_start3A_86] : memref<10112x128xf32, #tpu.memory_space<hbm>> -> memref<10112x128xf32, #tpu.memory_space<hbm>>
        tpu.enqueue_indirect_dma source(%dma_start3A_87 : memref<10112x128xf32, #tpu.memory_space<hbm>>) target(%dma_start3A_83 : memref<96x128xf32, #tpu.memory_space<vmem>>) offsets(%dma_start3A_84 : memref<96xi32, #tpu.memory_space<vmem>>) semaphore(%arg12 : memref<!tpu.dma_semaphore, #tpu.memory_space<semaphore_mem>>)
      } else {
      }
    }
    %scan3A_27 = arith.constant 53 : i32
    %barrier3A_28 = arith.constant 0 : index
    tpu.barrier barrier_id(%barrier3A_28)
    %mul3A_29 = arith.constant 632 : i32
    %mul3A_30 = arith.muli %arg1, %mul3A_29 : i32
    %mul3A_31 = arith.constant 632 : i32
    %mul3A_32 = arith.muli %arg1, %mul3A_31 : i32
    "tpu.region"() ({
      %run_scoped3A = tpu.sem_alloc : memref<!tpu.dma_semaphore, #tpu.memory_space<semaphore_mem>>
      %dma_start3A_33 = arith.constant 0 : i32
      %dma_start3A_34 = tpu.memref_slice %arg6[%arg0, %mul3A_32, %dma_start3A_33] : memref<2x10112x128xf32, #tpu.memory_space<hbm>> -> memref<1x632x128xf32, #tpu.memory_space<hbm>>
      %dma_start3A_35 = tpu.memref_squeeze %dma_start3A_34 : memref<1x632x128xf32, #tpu.memory_space<hbm>> -> memref<632x128xf32, #tpu.memory_space<hbm>>
      %dma_start3A_36 = arith.constant 0 : i32
      %dma_start3A_37 = tpu.memref_slice %arg10[%mul3A_30, %dma_start3A_36] : memref<10112x128xf32, #tpu.memory_space<vmem_shared>> -> memref<632x128xf32, #tpu.memory_space<vmem_shared>>
      tpu.enqueue_dma source(%dma_start3A_37 : memref<632x128xf32, #tpu.memory_space<vmem_shared>>) target(%dma_start3A_35 : memref<632x128xf32, #tpu.memory_space<hbm>>) target_semaphore(%run_scoped3A : memref<!tpu.dma_semaphore, #tpu.memory_space<semaphore_mem>>)
      %dma_wait3A = arith.constant 0 : i32
      %dma_wait3A_38 = tpu.memref_slice %arg6[%arg0, %mul3A_32, %dma_wait3A] : memref<2x10112x128xf32, #tpu.memory_space<hbm>> -> memref<1x632x128xf32, #tpu.memory_space<hbm>>
      %dma_wait3A_39 = tpu.memref_squeeze %dma_wait3A_38 : memref<1x632x128xf32, #tpu.memory_space<hbm>> -> memref<632x128xf32, #tpu.memory_space<hbm>>
      %dma_wait3A_40 = arith.constant 0 : i32
      %dma_wait3A_41 = tpu.memref_slice %arg10[%mul3A_30, %dma_wait3A_40] : memref<10112x128xf32, #tpu.memory_space<vmem_shared>> -> memref<632x128xf32, #tpu.memory_space<vmem_shared>>
      tpu.wait_dma2 semaphore(%run_scoped3A : memref<!tpu.dma_semaphore, #tpu.memory_space<semaphore_mem>>) src(%dma_wait3A_41 : memref<632x128xf32, #tpu.memory_space<vmem_shared>>) dst(%dma_wait3A_39 : memref<632x128xf32, #tpu.memory_space<hbm>>)
      tpu.yield
    }) : () -> ()
    return
  }
}

#map = affine_map<(d0, d1) -> (0, 0)>
#map1 = affine_map<(d0, d1) -> (0, 0, 0)>
module attributes {stable_mosaic.version = 14 : i64} {
  func.func @agg(%arg0: i32, %arg1: i32, %arg2: memref<10112x128xf32, #tpu.memory_space<hbm>>, %arg3: memref<32x10176xi32, #tpu.memory_space<hbm>>, %arg4: memref<32x106x96xi32, #tpu.memory_space<hbm>>, %arg5: memref<10112x128xf32, #tpu.memory_space<hbm>>, %arg6: memref<2x10112x128xf32, #tpu.memory_space<hbm>>, %arg7: memref<10176xi32, #tpu.memory_space<vmem>>, %arg8: memref<106x96xi32, #tpu.memory_space<vmem>>, %arg9: memref<2x96x128xf32, #tpu.memory_space<vmem>>, %arg10: memref<10112x128xf32, #tpu.memory_space<vmem_shared>>, %arg11: memref<!tpu.dma_semaphore, #tpu.memory_space<semaphore_mem>>, %arg12: memref<!tpu.dma_semaphore, #tpu.memory_space<semaphore_mem>>) attributes {dimension_semantics = [#tpu.dimension_semantics<core_parallel>, #tpu.dimension_semantics<subcore_parallel>], iteration_bounds = array<i64: 2, 16>, scalar_prefetch = 0 : i64, scratch_operands = 6 : i64, tpu.core_type = #tpu.core_type<sc_vector_subcore>, window_params = [{transform_indices = #map}, {transform_indices = #map}, {transform_indices = #map1}, {transform_indices = #map}, {transform_indices = #map1}]} {
    %mul3A = arith.constant 16 : i32
    %mul3A_0 = arith.muli %arg0, %mul3A : i32
    %add3A = arith.addi %mul3A_0, %arg1 : i32
    %mul3A_1 = arith.constant 632 : i32
    %mul3A_2 = arith.muli %arg1, %mul3A_1 : i32
    %mul3A_3 = arith.constant 632 : i32
    %mul3A_4 = arith.muli %arg1, %mul3A_3 : i32
    "tpu.region"() ({
      %run_scoped3A = tpu.sem_alloc : memref<!tpu.dma_semaphore, #tpu.memory_space<semaphore_mem>>
      %dma_start3A_33 = arith.constant 0 : i32
      %dma_start3A_34 = tpu.memref_slice %arg10[%mul3A_4, %dma_start3A_33] : memref<10112x128xf32, #tpu.memory_space<vmem_shared>> -> memref<632x128xf32, #tpu.memory_space<vmem_shared>>
      %dma_start3A_35 = arith.constant 0 : i32
      %dma_start3A_36 = tpu.memref_slice %arg5[%mul3A_2, %dma_start3A_35] : memref<10112x128xf32, #tpu.memory_space<hbm>> -> memref<632x128xf32, #tpu.memory_space<hbm>>
      tpu.enqueue_dma source(%dma_start3A_36 : memref<632x128xf32, #tpu.memory_space<hbm>>) target(%dma_start3A_34 : memref<632x128xf32, #tpu.memory_space<vmem_shared>>) target_semaphore(%run_scoped3A : memref<!tpu.dma_semaphore, #tpu.memory_space<semaphore_mem>>)
      %dma_wait3A = arith.constant 0 : i32
      %dma_wait3A_37 = tpu.memref_slice %arg10[%mul3A_4, %dma_wait3A] : memref<10112x128xf32, #tpu.memory_space<vmem_shared>> -> memref<632x128xf32, #tpu.memory_space<vmem_shared>>
      %dma_wait3A_38 = arith.constant 0 : i32
      %dma_wait3A_39 = tpu.memref_slice %arg5[%mul3A_2, %dma_wait3A_38] : memref<10112x128xf32, #tpu.memory_space<hbm>> -> memref<632x128xf32, #tpu.memory_space<hbm>>
      tpu.wait_dma2 semaphore(%run_scoped3A : memref<!tpu.dma_semaphore, #tpu.memory_space<semaphore_mem>>) src(%dma_wait3A_39 : memref<632x128xf32, #tpu.memory_space<hbm>>) dst(%dma_wait3A_37 : memref<632x128xf32, #tpu.memory_space<vmem_shared>>)
      tpu.yield
    }) : () -> ()
    "tpu.region"() ({
      %run_scoped3A = tpu.sem_alloc : memref<!tpu.dma_semaphore, #tpu.memory_space<semaphore_mem>>
      %dma_start3A_33 = arith.constant 0 : i32
      %dma_start3A_34 = tpu.memref_slice %arg3[%add3A, %dma_start3A_33] : memref<32x10176xi32, #tpu.memory_space<hbm>> -> memref<1x10176xi32, #tpu.memory_space<hbm>>
      %dma_start3A_35 = tpu.memref_squeeze %dma_start3A_34 : memref<1x10176xi32, #tpu.memory_space<hbm>> -> memref<10176xi32, #tpu.memory_space<hbm>>
      %dma_start3A_36 = arith.constant 0 : i32
      %dma_start3A_37 = tpu.memref_slice %arg3[%add3A, %dma_start3A_36] : memref<32x10176xi32, #tpu.memory_space<hbm>> -> memref<1x10176xi32, #tpu.memory_space<hbm>>
      %dma_start3A_38 = tpu.memref_squeeze %dma_start3A_37 : memref<1x10176xi32, #tpu.memory_space<hbm>> -> memref<10176xi32, #tpu.memory_space<hbm>>
      tpu.enqueue_dma source(%dma_start3A_38 : memref<10176xi32, #tpu.memory_space<hbm>>) target(%arg7 : memref<10176xi32, #tpu.memory_space<vmem>>) target_semaphore(%run_scoped3A : memref<!tpu.dma_semaphore, #tpu.memory_space<semaphore_mem>>)
      %dma_wait3A = arith.constant 0 : i32
      %dma_wait3A_39 = tpu.memref_slice %arg3[%add3A, %dma_wait3A] : memref<32x10176xi32, #tpu.memory_space<hbm>> -> memref<1x10176xi32, #tpu.memory_space<hbm>>
      %dma_wait3A_40 = tpu.memref_squeeze %dma_wait3A_39 : memref<1x10176xi32, #tpu.memory_space<hbm>> -> memref<10176xi32, #tpu.memory_space<hbm>>
      %dma_wait3A_41 = arith.constant 0 : i32
      %dma_wait3A_42 = tpu.memref_slice %arg3[%add3A, %dma_wait3A_41] : memref<32x10176xi32, #tpu.memory_space<hbm>> -> memref<1x10176xi32, #tpu.memory_space<hbm>>
      %dma_wait3A_43 = tpu.memref_squeeze %dma_wait3A_42 : memref<1x10176xi32, #tpu.memory_space<hbm>> -> memref<10176xi32, #tpu.memory_space<hbm>>
      tpu.wait_dma2 semaphore(%run_scoped3A : memref<!tpu.dma_semaphore, #tpu.memory_space<semaphore_mem>>) src(%dma_wait3A_43 : memref<10176xi32, #tpu.memory_space<hbm>>) dst(%arg7 : memref<10176xi32, #tpu.memory_space<vmem>>)
      tpu.yield
    }) : () -> ()
    "tpu.region"() ({
      %run_scoped3A = tpu.sem_alloc : memref<!tpu.dma_semaphore, #tpu.memory_space<semaphore_mem>>
      %dma_start3A_33 = arith.constant 0 : i32
      %dma_start3A_34 = arith.constant 0 : i32
      %dma_start3A_35 = tpu.memref_slice %arg4[%add3A, %dma_start3A_33, %dma_start3A_34] : memref<32x106x96xi32, #tpu.memory_space<hbm>> -> memref<1x106x96xi32, #tpu.memory_space<hbm>>
      %dma_start3A_36 = tpu.memref_squeeze %dma_start3A_35 : memref<1x106x96xi32, #tpu.memory_space<hbm>> -> memref<106x96xi32, #tpu.memory_space<hbm>>
      %dma_start3A_37 = arith.constant 0 : i32
      %dma_start3A_38 = arith.constant 0 : i32
      %dma_start3A_39 = tpu.memref_slice %arg4[%add3A, %dma_start3A_37, %dma_start3A_38] : memref<32x106x96xi32, #tpu.memory_space<hbm>> -> memref<1x106x96xi32, #tpu.memory_space<hbm>>
      %dma_start3A_40 = tpu.memref_squeeze %dma_start3A_39 : memref<1x106x96xi32, #tpu.memory_space<hbm>> -> memref<106x96xi32, #tpu.memory_space<hbm>>
      tpu.enqueue_dma source(%dma_start3A_40 : memref<106x96xi32, #tpu.memory_space<hbm>>) target(%arg8 : memref<106x96xi32, #tpu.memory_space<vmem>>) target_semaphore(%run_scoped3A : memref<!tpu.dma_semaphore, #tpu.memory_space<semaphore_mem>>)
      %dma_wait3A = arith.constant 0 : i32
      %dma_wait3A_41 = arith.constant 0 : i32
      %dma_wait3A_42 = tpu.memref_slice %arg4[%add3A, %dma_wait3A, %dma_wait3A_41] : memref<32x106x96xi32, #tpu.memory_space<hbm>> -> memref<1x106x96xi32, #tpu.memory_space<hbm>>
      %dma_wait3A_43 = tpu.memref_squeeze %dma_wait3A_42 : memref<1x106x96xi32, #tpu.memory_space<hbm>> -> memref<106x96xi32, #tpu.memory_space<hbm>>
      %dma_wait3A_44 = arith.constant 0 : i32
      %dma_wait3A_45 = arith.constant 0 : i32
      %dma_wait3A_46 = tpu.memref_slice %arg4[%add3A, %dma_wait3A_44, %dma_wait3A_45] : memref<32x106x96xi32, #tpu.memory_space<hbm>> -> memref<1x106x96xi32, #tpu.memory_space<hbm>>
      %dma_wait3A_47 = tpu.memref_squeeze %dma_wait3A_46 : memref<1x106x96xi32, #tpu.memory_space<hbm>> -> memref<106x96xi32, #tpu.memory_space<hbm>>
      tpu.wait_dma2 semaphore(%run_scoped3A : memref<!tpu.dma_semaphore, #tpu.memory_space<semaphore_mem>>) src(%dma_wait3A_47 : memref<106x96xi32, #tpu.memory_space<hbm>>) dst(%arg8 : memref<106x96xi32, #tpu.memory_space<vmem>>)
      tpu.yield
    }) : () -> ()
    %barrier3A = arith.constant 0 : index
    tpu.barrier barrier_id(%barrier3A)
    %dma_start3A = arith.constant 0 : i32
    %dma_start3A_5 = arith.constant 0 : i32
    %dma_start3A_6 = arith.constant 0 : i32
    %dma_start3A_7 = tpu.memref_slice %arg9[%dma_start3A, %dma_start3A_5, %dma_start3A_6] : memref<2x96x128xf32, #tpu.memory_space<vmem>> -> memref<1x96x128xf32, #tpu.memory_space<vmem>>
    %dma_start3A_8 = tpu.memref_squeeze %dma_start3A_7 : memref<1x96x128xf32, #tpu.memory_space<vmem>> -> memref<96x128xf32, #tpu.memory_space<vmem>>
    %dma_start3A_9 = arith.constant 0 : i32
    %dma_start3A_10 = tpu.memref_slice %arg7[%dma_start3A_9] : memref<10176xi32, #tpu.memory_space<vmem>> -> memref<96xi32, #tpu.memory_space<vmem>>
    %dma_start3A_11 = arith.constant 0 : i32
    %dma_start3A_12 = arith.constant 0 : i32
    %dma_start3A_13 = tpu.memref_slice %arg2[%dma_start3A_11, %dma_start3A_12] : memref<10112x128xf32, #tpu.memory_space<hbm>> -> memref<10112x128xf32, #tpu.memory_space<hbm>>
    tpu.enqueue_indirect_dma source(%dma_start3A_13 : memref<10112x128xf32, #tpu.memory_space<hbm>>) target(%dma_start3A_8 : memref<96x128xf32, #tpu.memory_space<vmem>>) offsets(%dma_start3A_10 : memref<96xi32, #tpu.memory_space<vmem>>) semaphore(%arg11 : memref<!tpu.dma_semaphore, #tpu.memory_space<semaphore_mem>>)
    %dma_start3A_14 = arith.constant 1 : i32
    %dma_start3A_15 = arith.constant 0 : i32
    %dma_start3A_16 = arith.constant 0 : i32
    %dma_start3A_17 = tpu.memref_slice %arg9[%dma_start3A_14, %dma_start3A_15, %dma_start3A_16] : memref<2x96x128xf32, #tpu.memory_space<vmem>> -> memref<1x96x128xf32, #tpu.memory_space<vmem>>
    %dma_start3A_18 = tpu.memref_squeeze %dma_start3A_17 : memref<1x96x128xf32, #tpu.memory_space<vmem>> -> memref<96x128xf32, #tpu.memory_space<vmem>>
    %dma_start3A_19 = arith.constant 96 : i32
    %dma_start3A_20 = tpu.memref_slice %arg7[%dma_start3A_19] : memref<10176xi32, #tpu.memory_space<vmem>> -> memref<96xi32, #tpu.memory_space<vmem>>
    %dma_start3A_21 = arith.constant 0 : i32
    %dma_start3A_22 = arith.constant 0 : i32
    %dma_start3A_23 = tpu.memref_slice %arg2[%dma_start3A_21, %dma_start3A_22] : memref<10112x128xf32, #tpu.memory_space<hbm>> -> memref<10112x128xf32, #tpu.memory_space<hbm>>
    tpu.enqueue_indirect_dma source(%dma_start3A_23 : memref<10112x128xf32, #tpu.memory_space<hbm>>) target(%dma_start3A_18 : memref<96x128xf32, #tpu.memory_space<vmem>>) offsets(%dma_start3A_20 : memref<96xi32, #tpu.memory_space<vmem>>) semaphore(%arg12 : memref<!tpu.dma_semaphore, #tpu.memory_space<semaphore_mem>>)
    %scan3A = arith.constant 0 : i32
    %scan3A_24 = arith.constant 53 : i32
    %scan3A_25 = arith.addi %scan3A, %scan3A_24 : i32
    %scan3A_26 = arith.constant 1 : i32
    scf.for %scan3A_33 = %scan3A to %scan3A_25 step %scan3A_26  : i32 {
      %mul3A_34 = arith.constant 2 : i32
      %mul3A_35 = arith.muli %scan3A_33, %mul3A_34 : i32
      %add3A_36 = arith.constant 0 : i32
      %add3A_37 = arith.addi %add3A_36, %mul3A_35 : i32
      %add3A_38 = arith.constant 0 : i32
      %add3A_39 = arith.addi %add3A_37, %add3A_38 : i32
      %mul3A_40 = arith.constant 96 : i32
      %mul3A_41 = arith.muli %add3A_39, %mul3A_40 : i32
      %dma_wait3A = arith.constant 0 : i32
      %dma_wait3A_42 = arith.constant 0 : i32
      %dma_wait3A_43 = arith.constant 0 : i32
      %dma_wait3A_44 = tpu.memref_slice %arg9[%dma_wait3A, %dma_wait3A_42, %dma_wait3A_43] : memref<2x96x128xf32, #tpu.memory_space<vmem>> -> memref<1x96x128xf32, #tpu.memory_space<vmem>>
      %dma_wait3A_45 = tpu.memref_squeeze %dma_wait3A_44 : memref<1x96x128xf32, #tpu.memory_space<vmem>> -> memref<96x128xf32, #tpu.memory_space<vmem>>
      %dma_wait3A_46 = tpu.memref_slice %arg7[%mul3A_41] : memref<10176xi32, #tpu.memory_space<vmem>> -> memref<96xi32, #tpu.memory_space<vmem>>
      %dma_wait3A_47 = arith.constant 0 : i32
      %dma_wait3A_48 = arith.constant 0 : i32
      %dma_wait3A_49 = tpu.memref_slice %arg2[%dma_wait3A_47, %dma_wait3A_48] : memref<10112x128xf32, #tpu.memory_space<hbm>> -> memref<10112x128xf32, #tpu.memory_space<hbm>>
      tpu.wait_indirect_dma semaphore(%arg11 : memref<!tpu.dma_semaphore, #tpu.memory_space<semaphore_mem>>) src(%dma_wait3A_49 : memref<10112x128xf32, #tpu.memory_space<hbm>>) dst(%dma_wait3A_45 : memref<96x128xf32, #tpu.memory_space<vmem>>)
      %run_scoped3A = arith.constant 0 : i32
      "tpu.region"() ({
        %run_scoped3A_75 = tpu.sem_alloc : memref<!tpu.dma_semaphore, #tpu.memory_space<semaphore_mem>>
        %dma_start3A_76 = arith.constant 0 : i32
        %dma_start3A_77 = arith.constant 0 : i32
        %dma_start3A_78 = tpu.memref_slice %arg9[%run_scoped3A, %dma_start3A_76, %dma_start3A_77] : memref<2x96x128xf32, #tpu.memory_space<vmem>> -> memref<1x96x128xf32, #tpu.memory_space<vmem>>
        %dma_start3A_79 = tpu.memref_squeeze %dma_start3A_78 : memref<1x96x128xf32, #tpu.memory_space<vmem>> -> memref<96x128xf32, #tpu.memory_space<vmem>>
        %dma_start3A_80 = arith.constant 0 : i32
        %dma_start3A_81 = tpu.memref_slice %arg8[%add3A_39, %dma_start3A_80] : memref<106x96xi32, #tpu.memory_space<vmem>> -> memref<1x96xi32, #tpu.memory_space<vmem>>
        %dma_start3A_82 = tpu.memref_squeeze %dma_start3A_81 : memref<1x96xi32, #tpu.memory_space<vmem>> -> memref<96xi32, #tpu.memory_space<vmem>>
        %dma_start3A_83 = arith.constant 0 : i32
        %dma_start3A_84 = arith.constant 0 : i32
        %dma_start3A_85 = tpu.memref_slice %arg10[%dma_start3A_83, %dma_start3A_84] : memref<10112x128xf32, #tpu.memory_space<vmem_shared>> -> memref<10112x128xf32, #tpu.memory_space<vmem_shared>>
        tpu.enqueue_indirect_dma source(%dma_start3A_79 : memref<96x128xf32, #tpu.memory_space<vmem>>) target(%dma_start3A_85 : memref<10112x128xf32, #tpu.memory_space<vmem_shared>>) offsets(%dma_start3A_82 : memref<96xi32, #tpu.memory_space<vmem>>) semaphore(%run_scoped3A_75 : memref<!tpu.dma_semaphore, #tpu.memory_space<semaphore_mem>>) {add = true}
        %dma_wait3A_86 = arith.constant 0 : i32
        %dma_wait3A_87 = arith.constant 0 : i32
        %dma_wait3A_88 = tpu.memref_slice %arg9[%run_scoped3A, %dma_wait3A_86, %dma_wait3A_87] : memref<2x96x128xf32, #tpu.memory_space<vmem>> -> memref<1x96x128xf32, #tpu.memory_space<vmem>>
        %dma_wait3A_89 = tpu.memref_squeeze %dma_wait3A_88 : memref<1x96x128xf32, #tpu.memory_space<vmem>> -> memref<96x128xf32, #tpu.memory_space<vmem>>
        %dma_wait3A_90 = arith.constant 0 : i32
        %dma_wait3A_91 = tpu.memref_slice %arg8[%add3A_39, %dma_wait3A_90] : memref<106x96xi32, #tpu.memory_space<vmem>> -> memref<1x96xi32, #tpu.memory_space<vmem>>
        %dma_wait3A_92 = tpu.memref_squeeze %dma_wait3A_91 : memref<1x96xi32, #tpu.memory_space<vmem>> -> memref<96xi32, #tpu.memory_space<vmem>>
        %dma_wait3A_93 = arith.constant 0 : i32
        %dma_wait3A_94 = arith.constant 0 : i32
        %dma_wait3A_95 = tpu.memref_slice %arg10[%dma_wait3A_93, %dma_wait3A_94] : memref<10112x128xf32, #tpu.memory_space<vmem_shared>> -> memref<10112x128xf32, #tpu.memory_space<vmem_shared>>
        tpu.wait_indirect_dma semaphore(%run_scoped3A_75 : memref<!tpu.dma_semaphore, #tpu.memory_space<semaphore_mem>>) src(%dma_wait3A_89 : memref<96x128xf32, #tpu.memory_space<vmem>>) dst(%dma_wait3A_95 : memref<10112x128xf32, #tpu.memory_space<vmem_shared>>)
        tpu.yield
      }) : () -> ()
      %add3A_50 = arith.constant 2 : i32
      %add3A_51 = arith.addi %add3A_39, %add3A_50 : i32
      %lt3A = arith.constant 106 : i32
      %lt3A_52 = arith.cmpi slt, %add3A_51, %lt3A : i32
      %convert_element_type3A = arith.extui %lt3A_52 : i1 to i32
      %cond3A = arith.constant 0 : i32
      %cond3A_53 = arith.cmpi ne, %convert_element_type3A, %cond3A : i32
      scf.if %cond3A_53 {
        %add3A_75 = arith.constant 2 : i32
        %add3A_76 = arith.addi %add3A_39, %add3A_75 : i32
        %mul3A_77 = arith.constant 96 : i32
        %mul3A_78 = arith.muli %add3A_76, %mul3A_77 : i32
        %dma_start3A_79 = arith.constant 0 : i32
        %dma_start3A_80 = arith.constant 0 : i32
        %dma_start3A_81 = arith.constant 0 : i32
        %dma_start3A_82 = tpu.memref_slice %arg9[%dma_start3A_79, %dma_start3A_80, %dma_start3A_81] : memref<2x96x128xf32, #tpu.memory_space<vmem>> -> memref<1x96x128xf32, #tpu.memory_space<vmem>>
        %dma_start3A_83 = tpu.memref_squeeze %dma_start3A_82 : memref<1x96x128xf32, #tpu.memory_space<vmem>> -> memref<96x128xf32, #tpu.memory_space<vmem>>
        %dma_start3A_84 = tpu.memref_slice %arg7[%mul3A_78] : memref<10176xi32, #tpu.memory_space<vmem>> -> memref<96xi32, #tpu.memory_space<vmem>>
        %dma_start3A_85 = arith.constant 0 : i32
        %dma_start3A_86 = arith.constant 0 : i32
        %dma_start3A_87 = tpu.memref_slice %arg2[%dma_start3A_85, %dma_start3A_86] : memref<10112x128xf32, #tpu.memory_space<hbm>> -> memref<10112x128xf32, #tpu.memory_space<hbm>>
        tpu.enqueue_indirect_dma source(%dma_start3A_87 : memref<10112x128xf32, #tpu.memory_space<hbm>>) target(%dma_start3A_83 : memref<96x128xf32, #tpu.memory_space<vmem>>) offsets(%dma_start3A_84 : memref<96xi32, #tpu.memory_space<vmem>>) semaphore(%arg11 : memref<!tpu.dma_semaphore, #tpu.memory_space<semaphore_mem>>)
      } else {
      }
      %add3A_54 = arith.constant 1 : i32
      %add3A_55 = arith.addi %add3A_37, %add3A_54 : i32
      %mul3A_56 = arith.constant 96 : i32
      %mul3A_57 = arith.muli %add3A_55, %mul3A_56 : i32
      %dma_wait3A_58 = arith.constant 1 : i32
      %dma_wait3A_59 = arith.constant 0 : i32
      %dma_wait3A_60 = arith.constant 0 : i32
      %dma_wait3A_61 = tpu.memref_slice %arg9[%dma_wait3A_58, %dma_wait3A_59, %dma_wait3A_60] : memref<2x96x128xf32, #tpu.memory_space<vmem>> -> memref<1x96x128xf32, #tpu.memory_space<vmem>>
      %dma_wait3A_62 = tpu.memref_squeeze %dma_wait3A_61 : memref<1x96x128xf32, #tpu.memory_space<vmem>> -> memref<96x128xf32, #tpu.memory_space<vmem>>
      %dma_wait3A_63 = tpu.memref_slice %arg7[%mul3A_57] : memref<10176xi32, #tpu.memory_space<vmem>> -> memref<96xi32, #tpu.memory_space<vmem>>
      %dma_wait3A_64 = arith.constant 0 : i32
      %dma_wait3A_65 = arith.constant 0 : i32
      %dma_wait3A_66 = tpu.memref_slice %arg2[%dma_wait3A_64, %dma_wait3A_65] : memref<10112x128xf32, #tpu.memory_space<hbm>> -> memref<10112x128xf32, #tpu.memory_space<hbm>>
      tpu.wait_indirect_dma semaphore(%arg12 : memref<!tpu.dma_semaphore, #tpu.memory_space<semaphore_mem>>) src(%dma_wait3A_66 : memref<10112x128xf32, #tpu.memory_space<hbm>>) dst(%dma_wait3A_62 : memref<96x128xf32, #tpu.memory_space<vmem>>)
      %run_scoped3A_67 = arith.constant 1 : i32
      "tpu.region"() ({
        %run_scoped3A_75 = tpu.sem_alloc : memref<!tpu.dma_semaphore, #tpu.memory_space<semaphore_mem>>
        %dma_start3A_76 = arith.constant 0 : i32
        %dma_start3A_77 = arith.constant 0 : i32
        %dma_start3A_78 = tpu.memref_slice %arg9[%run_scoped3A_67, %dma_start3A_76, %dma_start3A_77] : memref<2x96x128xf32, #tpu.memory_space<vmem>> -> memref<1x96x128xf32, #tpu.memory_space<vmem>>
        %dma_start3A_79 = tpu.memref_squeeze %dma_start3A_78 : memref<1x96x128xf32, #tpu.memory_space<vmem>> -> memref<96x128xf32, #tpu.memory_space<vmem>>
        %dma_start3A_80 = arith.constant 0 : i32
        %dma_start3A_81 = tpu.memref_slice %arg8[%add3A_55, %dma_start3A_80] : memref<106x96xi32, #tpu.memory_space<vmem>> -> memref<1x96xi32, #tpu.memory_space<vmem>>
        %dma_start3A_82 = tpu.memref_squeeze %dma_start3A_81 : memref<1x96xi32, #tpu.memory_space<vmem>> -> memref<96xi32, #tpu.memory_space<vmem>>
        %dma_start3A_83 = arith.constant 0 : i32
        %dma_start3A_84 = arith.constant 0 : i32
        %dma_start3A_85 = tpu.memref_slice %arg10[%dma_start3A_83, %dma_start3A_84] : memref<10112x128xf32, #tpu.memory_space<vmem_shared>> -> memref<10112x128xf32, #tpu.memory_space<vmem_shared>>
        tpu.enqueue_indirect_dma source(%dma_start3A_79 : memref<96x128xf32, #tpu.memory_space<vmem>>) target(%dma_start3A_85 : memref<10112x128xf32, #tpu.memory_space<vmem_shared>>) offsets(%dma_start3A_82 : memref<96xi32, #tpu.memory_space<vmem>>) semaphore(%run_scoped3A_75 : memref<!tpu.dma_semaphore, #tpu.memory_space<semaphore_mem>>) {add = true}
        %dma_wait3A_86 = arith.constant 0 : i32
        %dma_wait3A_87 = arith.constant 0 : i32
        %dma_wait3A_88 = tpu.memref_slice %arg9[%run_scoped3A_67, %dma_wait3A_86, %dma_wait3A_87] : memref<2x96x128xf32, #tpu.memory_space<vmem>> -> memref<1x96x128xf32, #tpu.memory_space<vmem>>
        %dma_wait3A_89 = tpu.memref_squeeze %dma_wait3A_88 : memref<1x96x128xf32, #tpu.memory_space<vmem>> -> memref<96x128xf32, #tpu.memory_space<vmem>>
        %dma_wait3A_90 = arith.constant 0 : i32
        %dma_wait3A_91 = tpu.memref_slice %arg8[%add3A_55, %dma_wait3A_90] : memref<106x96xi32, #tpu.memory_space<vmem>> -> memref<1x96xi32, #tpu.memory_space<vmem>>
        %dma_wait3A_92 = tpu.memref_squeeze %dma_wait3A_91 : memref<1x96xi32, #tpu.memory_space<vmem>> -> memref<96xi32, #tpu.memory_space<vmem>>
        %dma_wait3A_93 = arith.constant 0 : i32
        %dma_wait3A_94 = arith.constant 0 : i32
        %dma_wait3A_95 = tpu.memref_slice %arg10[%dma_wait3A_93, %dma_wait3A_94] : memref<10112x128xf32, #tpu.memory_space<vmem_shared>> -> memref<10112x128xf32, #tpu.memory_space<vmem_shared>>
        tpu.wait_indirect_dma semaphore(%run_scoped3A_75 : memref<!tpu.dma_semaphore, #tpu.memory_space<semaphore_mem>>) src(%dma_wait3A_89 : memref<96x128xf32, #tpu.memory_space<vmem>>) dst(%dma_wait3A_95 : memref<10112x128xf32, #tpu.memory_space<vmem_shared>>)
        tpu.yield
      }) : () -> ()
      %add3A_68 = arith.constant 2 : i32
      %add3A_69 = arith.addi %add3A_55, %add3A_68 : i32
      %lt3A_70 = arith.constant 106 : i32
      %lt3A_71 = arith.cmpi slt, %add3A_69, %lt3A_70 : i32
      %convert_element_type3A_72 = arith.extui %lt3A_71 : i1 to i32
      %cond3A_73 = arith.constant 0 : i32
      %cond3A_74 = arith.cmpi ne, %convert_element_type3A_72, %cond3A_73 : i32
      scf.if %cond3A_74 {
        %add3A_75 = arith.constant 2 : i32
        %add3A_76 = arith.addi %add3A_55, %add3A_75 : i32
        %mul3A_77 = arith.constant 96 : i32
        %mul3A_78 = arith.muli %add3A_76, %mul3A_77 : i32
        %dma_start3A_79 = arith.constant 1 : i32
        %dma_start3A_80 = arith.constant 0 : i32
        %dma_start3A_81 = arith.constant 0 : i32
        %dma_start3A_82 = tpu.memref_slice %arg9[%dma_start3A_79, %dma_start3A_80, %dma_start3A_81] : memref<2x96x128xf32, #tpu.memory_space<vmem>> -> memref<1x96x128xf32, #tpu.memory_space<vmem>>
        %dma_start3A_83 = tpu.memref_squeeze %dma_start3A_82 : memref<1x96x128xf32, #tpu.memory_space<vmem>> -> memref<96x128xf32, #tpu.memory_space<vmem>>
        %dma_start3A_84 = tpu.memref_slice %arg7[%mul3A_78] : memref<10176xi32, #tpu.memory_space<vmem>> -> memref<96xi32, #tpu.memory_space<vmem>>
        %dma_start3A_85 = arith.constant 0 : i32
        %dma_start3A_86 = arith.constant 0 : i32
        %dma_start3A_87 = tpu.memref_slice %arg2[%dma_start3A_85, %dma_start3A_86] : memref<10112x128xf32, #tpu.memory_space<hbm>> -> memref<10112x128xf32, #tpu.memory_space<hbm>>
        tpu.enqueue_indirect_dma source(%dma_start3A_87 : memref<10112x128xf32, #tpu.memory_space<hbm>>) target(%dma_start3A_83 : memref<96x128xf32, #tpu.memory_space<vmem>>) offsets(%dma_start3A_84 : memref<96xi32, #tpu.memory_space<vmem>>) semaphore(%arg12 : memref<!tpu.dma_semaphore, #tpu.memory_space<semaphore_mem>>)
      } else {
      }
    }
    %scan3A_27 = arith.constant 53 : i32
    %barrier3A_28 = arith.constant 0 : index
    tpu.barrier barrier_id(%barrier3A_28)
    %mul3A_29 = arith.constant 632 : i32
    %mul3A_30 = arith.muli %arg1, %mul3A_29 : i32
    %mul3A_31 = arith.constant 632 : i32
    %mul3A_32 = arith.muli %arg1, %mul3A_31 : i32
    "tpu.region"() ({
      %run_scoped3A = tpu.sem_alloc : memref<!tpu.dma_semaphore, #tpu.memory_space<semaphore_mem>>
      %dma_start3A_33 = arith.constant 0 : i32
      %dma_start3A_34 = tpu.memref_slice %arg6[%arg0, %mul3A_32, %dma_start3A_33] : memref<2x10112x128xf32, #tpu.memory_space<hbm>> -> memref<1x632x128xf32, #tpu.memory_space<hbm>>
      %dma_start3A_35 = tpu.memref_squeeze %dma_start3A_34 : memref<1x632x128xf32, #tpu.memory_space<hbm>> -> memref<632x128xf32, #tpu.memory_space<hbm>>
      %dma_start3A_36 = arith.constant 0 : i32
      %dma_start3A_37 = tpu.memref_slice %arg10[%mul3A_30, %dma_start3A_36] : memref<10112x128xf32, #tpu.memory_space<vmem_shared>> -> memref<632x128xf32, #tpu.memory_space<vmem_shared>>
      tpu.enqueue_dma source(%dma_start3A_37 : memref<632x128xf32, #tpu.memory_space<vmem_shared>>) target(%dma_start3A_35 : memref<632x128xf32, #tpu.memory_space<hbm>>) target_semaphore(%run_scoped3A : memref<!tpu.dma_semaphore, #tpu.memory_space<semaphore_mem>>)
      %dma_wait3A = arith.constant 0 : i32
      %dma_wait3A_38 = tpu.memref_slice %arg6[%arg0, %mul3A_32, %dma_wait3A] : memref<2x10112x128xf32, #tpu.memory_space<hbm>> -> memref<1x632x128xf32, #tpu.memory_space<hbm>>
      %dma_wait3A_39 = tpu.memref_squeeze %dma_wait3A_38 : memref<1x632x128xf32, #tpu.memory_space<hbm>> -> memref<632x128xf32, #tpu.memory_space<hbm>>
      %dma_wait3A_40 = arith.constant 0 : i32
      %dma_wait3A_41 = tpu.memref_slice %arg10[%mul3A_30, %dma_wait3A_40] : memref<10112x128xf32, #tpu.memory_space<vmem_shared>> -> memref<632x128xf32, #tpu.memory_space<vmem_shared>>
      tpu.wait_dma2 semaphore(%run_scoped3A : memref<!tpu.dma_semaphore, #tpu.memory_space<semaphore_mem>>) src(%dma_wait3A_41 : memref<632x128xf32, #tpu.memory_space<vmem_shared>>) dst(%dma_wait3A_39 : memref<632x128xf32, #tpu.memory_space<hbm>>)
      tpu.yield
    }) : () -> ()
    return
  }
}

#map = affine_map<(d0, d1) -> (0, 0)>
#map1 = affine_map<(d0, d1) -> (0, 0, 0)>
module attributes {stable_mosaic.version = 14 : i64} {
  func.func @agg(%arg0: i32, %arg1: i32, %arg2: memref<10112x128xf32, #tpu.memory_space<hbm>>, %arg3: memref<32x10176xi32, #tpu.memory_space<hbm>>, %arg4: memref<32x106x96xi32, #tpu.memory_space<hbm>>, %arg5: memref<10112x128xf32, #tpu.memory_space<hbm>>, %arg6: memref<2x10112x128xf32, #tpu.memory_space<hbm>>, %arg7: memref<10176xi32, #tpu.memory_space<vmem>>, %arg8: memref<106x96xi32, #tpu.memory_space<vmem>>, %arg9: memref<2x96x128xf32, #tpu.memory_space<vmem>>, %arg10: memref<10112x128xf32, #tpu.memory_space<vmem_shared>>, %arg11: memref<!tpu.dma_semaphore, #tpu.memory_space<semaphore_mem>>, %arg12: memref<!tpu.dma_semaphore, #tpu.memory_space<semaphore_mem>>) attributes {dimension_semantics = [#tpu.dimension_semantics<core_parallel>, #tpu.dimension_semantics<subcore_parallel>], iteration_bounds = array<i64: 2, 16>, scalar_prefetch = 0 : i64, scratch_operands = 6 : i64, tpu.core_type = #tpu.core_type<sc_vector_subcore>, window_params = [{transform_indices = #map}, {transform_indices = #map}, {transform_indices = #map1}, {transform_indices = #map}, {transform_indices = #map1}]} {
    %mul3A = arith.constant 16 : i32
    %mul3A_0 = arith.muli %arg0, %mul3A : i32
    %add3A = arith.addi %mul3A_0, %arg1 : i32
    %mul3A_1 = arith.constant 632 : i32
    %mul3A_2 = arith.muli %arg1, %mul3A_1 : i32
    %mul3A_3 = arith.constant 632 : i32
    %mul3A_4 = arith.muli %arg1, %mul3A_3 : i32
    "tpu.region"() ({
      %run_scoped3A = tpu.sem_alloc : memref<!tpu.dma_semaphore, #tpu.memory_space<semaphore_mem>>
      %dma_start3A_33 = arith.constant 0 : i32
      %dma_start3A_34 = tpu.memref_slice %arg10[%mul3A_4, %dma_start3A_33] : memref<10112x128xf32, #tpu.memory_space<vmem_shared>> -> memref<632x128xf32, #tpu.memory_space<vmem_shared>>
      %dma_start3A_35 = arith.constant 0 : i32
      %dma_start3A_36 = tpu.memref_slice %arg5[%mul3A_2, %dma_start3A_35] : memref<10112x128xf32, #tpu.memory_space<hbm>> -> memref<632x128xf32, #tpu.memory_space<hbm>>
      tpu.enqueue_dma source(%dma_start3A_36 : memref<632x128xf32, #tpu.memory_space<hbm>>) target(%dma_start3A_34 : memref<632x128xf32, #tpu.memory_space<vmem_shared>>) target_semaphore(%run_scoped3A : memref<!tpu.dma_semaphore, #tpu.memory_space<semaphore_mem>>)
      %dma_wait3A = arith.constant 0 : i32
      %dma_wait3A_37 = tpu.memref_slice %arg10[%mul3A_4, %dma_wait3A] : memref<10112x128xf32, #tpu.memory_space<vmem_shared>> -> memref<632x128xf32, #tpu.memory_space<vmem_shared>>
      %dma_wait3A_38 = arith.constant 0 : i32
      %dma_wait3A_39 = tpu.memref_slice %arg5[%mul3A_2, %dma_wait3A_38] : memref<10112x128xf32, #tpu.memory_space<hbm>> -> memref<632x128xf32, #tpu.memory_space<hbm>>
      tpu.wait_dma2 semaphore(%run_scoped3A : memref<!tpu.dma_semaphore, #tpu.memory_space<semaphore_mem>>) src(%dma_wait3A_39 : memref<632x128xf32, #tpu.memory_space<hbm>>) dst(%dma_wait3A_37 : memref<632x128xf32, #tpu.memory_space<vmem_shared>>)
      tpu.yield
    }) : () -> ()
    "tpu.region"() ({
      %run_scoped3A = tpu.sem_alloc : memref<!tpu.dma_semaphore, #tpu.memory_space<semaphore_mem>>
      %dma_start3A_33 = arith.constant 0 : i32
      %dma_start3A_34 = tpu.memref_slice %arg3[%add3A, %dma_start3A_33] : memref<32x10176xi32, #tpu.memory_space<hbm>> -> memref<1x10176xi32, #tpu.memory_space<hbm>>
      %dma_start3A_35 = tpu.memref_squeeze %dma_start3A_34 : memref<1x10176xi32, #tpu.memory_space<hbm>> -> memref<10176xi32, #tpu.memory_space<hbm>>
      %dma_start3A_36 = arith.constant 0 : i32
      %dma_start3A_37 = tpu.memref_slice %arg3[%add3A, %dma_start3A_36] : memref<32x10176xi32, #tpu.memory_space<hbm>> -> memref<1x10176xi32, #tpu.memory_space<hbm>>
      %dma_start3A_38 = tpu.memref_squeeze %dma_start3A_37 : memref<1x10176xi32, #tpu.memory_space<hbm>> -> memref<10176xi32, #tpu.memory_space<hbm>>
      tpu.enqueue_dma source(%dma_start3A_38 : memref<10176xi32, #tpu.memory_space<hbm>>) target(%arg7 : memref<10176xi32, #tpu.memory_space<vmem>>) target_semaphore(%run_scoped3A : memref<!tpu.dma_semaphore, #tpu.memory_space<semaphore_mem>>)
      %dma_wait3A = arith.constant 0 : i32
      %dma_wait3A_39 = tpu.memref_slice %arg3[%add3A, %dma_wait3A] : memref<32x10176xi32, #tpu.memory_space<hbm>> -> memref<1x10176xi32, #tpu.memory_space<hbm>>
      %dma_wait3A_40 = tpu.memref_squeeze %dma_wait3A_39 : memref<1x10176xi32, #tpu.memory_space<hbm>> -> memref<10176xi32, #tpu.memory_space<hbm>>
      %dma_wait3A_41 = arith.constant 0 : i32
      %dma_wait3A_42 = tpu.memref_slice %arg3[%add3A, %dma_wait3A_41] : memref<32x10176xi32, #tpu.memory_space<hbm>> -> memref<1x10176xi32, #tpu.memory_space<hbm>>
      %dma_wait3A_43 = tpu.memref_squeeze %dma_wait3A_42 : memref<1x10176xi32, #tpu.memory_space<hbm>> -> memref<10176xi32, #tpu.memory_space<hbm>>
      tpu.wait_dma2 semaphore(%run_scoped3A : memref<!tpu.dma_semaphore, #tpu.memory_space<semaphore_mem>>) src(%dma_wait3A_43 : memref<10176xi32, #tpu.memory_space<hbm>>) dst(%arg7 : memref<10176xi32, #tpu.memory_space<vmem>>)
      tpu.yield
    }) : () -> ()
    "tpu.region"() ({
      %run_scoped3A = tpu.sem_alloc : memref<!tpu.dma_semaphore, #tpu.memory_space<semaphore_mem>>
      %dma_start3A_33 = arith.constant 0 : i32
      %dma_start3A_34 = arith.constant 0 : i32
      %dma_start3A_35 = tpu.memref_slice %arg4[%add3A, %dma_start3A_33, %dma_start3A_34] : memref<32x106x96xi32, #tpu.memory_space<hbm>> -> memref<1x106x96xi32, #tpu.memory_space<hbm>>
      %dma_start3A_36 = tpu.memref_squeeze %dma_start3A_35 : memref<1x106x96xi32, #tpu.memory_space<hbm>> -> memref<106x96xi32, #tpu.memory_space<hbm>>
      %dma_start3A_37 = arith.constant 0 : i32
      %dma_start3A_38 = arith.constant 0 : i32
      %dma_start3A_39 = tpu.memref_slice %arg4[%add3A, %dma_start3A_37, %dma_start3A_38] : memref<32x106x96xi32, #tpu.memory_space<hbm>> -> memref<1x106x96xi32, #tpu.memory_space<hbm>>
      %dma_start3A_40 = tpu.memref_squeeze %dma_start3A_39 : memref<1x106x96xi32, #tpu.memory_space<hbm>> -> memref<106x96xi32, #tpu.memory_space<hbm>>
      tpu.enqueue_dma source(%dma_start3A_40 : memref<106x96xi32, #tpu.memory_space<hbm>>) target(%arg8 : memref<106x96xi32, #tpu.memory_space<vmem>>) target_semaphore(%run_scoped3A : memref<!tpu.dma_semaphore, #tpu.memory_space<semaphore_mem>>)
      %dma_wait3A = arith.constant 0 : i32
      %dma_wait3A_41 = arith.constant 0 : i32
      %dma_wait3A_42 = tpu.memref_slice %arg4[%add3A, %dma_wait3A, %dma_wait3A_41] : memref<32x106x96xi32, #tpu.memory_space<hbm>> -> memref<1x106x96xi32, #tpu.memory_space<hbm>>
      %dma_wait3A_43 = tpu.memref_squeeze %dma_wait3A_42 : memref<1x106x96xi32, #tpu.memory_space<hbm>> -> memref<106x96xi32, #tpu.memory_space<hbm>>
      %dma_wait3A_44 = arith.constant 0 : i32
      %dma_wait3A_45 = arith.constant 0 : i32
      %dma_wait3A_46 = tpu.memref_slice %arg4[%add3A, %dma_wait3A_44, %dma_wait3A_45] : memref<32x106x96xi32, #tpu.memory_space<hbm>> -> memref<1x106x96xi32, #tpu.memory_space<hbm>>
      %dma_wait3A_47 = tpu.memref_squeeze %dma_wait3A_46 : memref<1x106x96xi32, #tpu.memory_space<hbm>> -> memref<106x96xi32, #tpu.memory_space<hbm>>
      tpu.wait_dma2 semaphore(%run_scoped3A : memref<!tpu.dma_semaphore, #tpu.memory_space<semaphore_mem>>) src(%dma_wait3A_47 : memref<106x96xi32, #tpu.memory_space<hbm>>) dst(%arg8 : memref<106x96xi32, #tpu.memory_space<vmem>>)
      tpu.yield
    }) : () -> ()
    %barrier3A = arith.constant 0 : index
    tpu.barrier barrier_id(%barrier3A)
    %dma_start3A = arith.constant 0 : i32
    %dma_start3A_5 = arith.constant 0 : i32
    %dma_start3A_6 = arith.constant 0 : i32
    %dma_start3A_7 = tpu.memref_slice %arg9[%dma_start3A, %dma_start3A_5, %dma_start3A_6] : memref<2x96x128xf32, #tpu.memory_space<vmem>> -> memref<1x96x128xf32, #tpu.memory_space<vmem>>
    %dma_start3A_8 = tpu.memref_squeeze %dma_start3A_7 : memref<1x96x128xf32, #tpu.memory_space<vmem>> -> memref<96x128xf32, #tpu.memory_space<vmem>>
    %dma_start3A_9 = arith.constant 0 : i32
    %dma_start3A_10 = tpu.memref_slice %arg7[%dma_start3A_9] : memref<10176xi32, #tpu.memory_space<vmem>> -> memref<96xi32, #tpu.memory_space<vmem>>
    %dma_start3A_11 = arith.constant 0 : i32
    %dma_start3A_12 = arith.constant 0 : i32
    %dma_start3A_13 = tpu.memref_slice %arg2[%dma_start3A_11, %dma_start3A_12] : memref<10112x128xf32, #tpu.memory_space<hbm>> -> memref<10112x128xf32, #tpu.memory_space<hbm>>
    tpu.enqueue_indirect_dma source(%dma_start3A_13 : memref<10112x128xf32, #tpu.memory_space<hbm>>) target(%dma_start3A_8 : memref<96x128xf32, #tpu.memory_space<vmem>>) offsets(%dma_start3A_10 : memref<96xi32, #tpu.memory_space<vmem>>) semaphore(%arg11 : memref<!tpu.dma_semaphore, #tpu.memory_space<semaphore_mem>>)
    %dma_start3A_14 = arith.constant 1 : i32
    %dma_start3A_15 = arith.constant 0 : i32
    %dma_start3A_16 = arith.constant 0 : i32
    %dma_start3A_17 = tpu.memref_slice %arg9[%dma_start3A_14, %dma_start3A_15, %dma_start3A_16] : memref<2x96x128xf32, #tpu.memory_space<vmem>> -> memref<1x96x128xf32, #tpu.memory_space<vmem>>
    %dma_start3A_18 = tpu.memref_squeeze %dma_start3A_17 : memref<1x96x128xf32, #tpu.memory_space<vmem>> -> memref<96x128xf32, #tpu.memory_space<vmem>>
    %dma_start3A_19 = arith.constant 96 : i32
    %dma_start3A_20 = tpu.memref_slice %arg7[%dma_start3A_19] : memref<10176xi32, #tpu.memory_space<vmem>> -> memref<96xi32, #tpu.memory_space<vmem>>
    %dma_start3A_21 = arith.constant 0 : i32
    %dma_start3A_22 = arith.constant 0 : i32
    %dma_start3A_23 = tpu.memref_slice %arg2[%dma_start3A_21, %dma_start3A_22] : memref<10112x128xf32, #tpu.memory_space<hbm>> -> memref<10112x128xf32, #tpu.memory_space<hbm>>
    tpu.enqueue_indirect_dma source(%dma_start3A_23 : memref<10112x128xf32, #tpu.memory_space<hbm>>) target(%dma_start3A_18 : memref<96x128xf32, #tpu.memory_space<vmem>>) offsets(%dma_start3A_20 : memref<96xi32, #tpu.memory_space<vmem>>) semaphore(%arg12 : memref<!tpu.dma_semaphore, #tpu.memory_space<semaphore_mem>>)
    %scan3A = arith.constant 0 : i32
    %scan3A_24 = arith.constant 53 : i32
    %scan3A_25 = arith.addi %scan3A, %scan3A_24 : i32
    %scan3A_26 = arith.constant 1 : i32
    scf.for %scan3A_33 = %scan3A to %scan3A_25 step %scan3A_26  : i32 {
      %mul3A_34 = arith.constant 2 : i32
      %mul3A_35 = arith.muli %scan3A_33, %mul3A_34 : i32
      %add3A_36 = arith.constant 0 : i32
      %add3A_37 = arith.addi %add3A_36, %mul3A_35 : i32
      %add3A_38 = arith.constant 0 : i32
      %add3A_39 = arith.addi %add3A_37, %add3A_38 : i32
      %mul3A_40 = arith.constant 96 : i32
      %mul3A_41 = arith.muli %add3A_39, %mul3A_40 : i32
      %dma_wait3A = arith.constant 0 : i32
      %dma_wait3A_42 = arith.constant 0 : i32
      %dma_wait3A_43 = arith.constant 0 : i32
      %dma_wait3A_44 = tpu.memref_slice %arg9[%dma_wait3A, %dma_wait3A_42, %dma_wait3A_43] : memref<2x96x128xf32, #tpu.memory_space<vmem>> -> memref<1x96x128xf32, #tpu.memory_space<vmem>>
      %dma_wait3A_45 = tpu.memref_squeeze %dma_wait3A_44 : memref<1x96x128xf32, #tpu.memory_space<vmem>> -> memref<96x128xf32, #tpu.memory_space<vmem>>
      %dma_wait3A_46 = tpu.memref_slice %arg7[%mul3A_41] : memref<10176xi32, #tpu.memory_space<vmem>> -> memref<96xi32, #tpu.memory_space<vmem>>
      %dma_wait3A_47 = arith.constant 0 : i32
      %dma_wait3A_48 = arith.constant 0 : i32
      %dma_wait3A_49 = tpu.memref_slice %arg2[%dma_wait3A_47, %dma_wait3A_48] : memref<10112x128xf32, #tpu.memory_space<hbm>> -> memref<10112x128xf32, #tpu.memory_space<hbm>>
      tpu.wait_indirect_dma semaphore(%arg11 : memref<!tpu.dma_semaphore, #tpu.memory_space<semaphore_mem>>) src(%dma_wait3A_49 : memref<10112x128xf32, #tpu.memory_space<hbm>>) dst(%dma_wait3A_45 : memref<96x128xf32, #tpu.memory_space<vmem>>)
      %run_scoped3A = arith.constant 0 : i32
      "tpu.region"() ({
        %run_scoped3A_75 = tpu.sem_alloc : memref<!tpu.dma_semaphore, #tpu.memory_space<semaphore_mem>>
        %dma_start3A_76 = arith.constant 0 : i32
        %dma_start3A_77 = arith.constant 0 : i32
        %dma_start3A_78 = tpu.memref_slice %arg9[%run_scoped3A, %dma_start3A_76, %dma_start3A_77] : memref<2x96x128xf32, #tpu.memory_space<vmem>> -> memref<1x96x128xf32, #tpu.memory_space<vmem>>
        %dma_start3A_79 = tpu.memref_squeeze %dma_start3A_78 : memref<1x96x128xf32, #tpu.memory_space<vmem>> -> memref<96x128xf32, #tpu.memory_space<vmem>>
        %dma_start3A_80 = arith.constant 0 : i32
        %dma_start3A_81 = tpu.memref_slice %arg8[%add3A_39, %dma_start3A_80] : memref<106x96xi32, #tpu.memory_space<vmem>> -> memref<1x96xi32, #tpu.memory_space<vmem>>
        %dma_start3A_82 = tpu.memref_squeeze %dma_start3A_81 : memref<1x96xi32, #tpu.memory_space<vmem>> -> memref<96xi32, #tpu.memory_space<vmem>>
        %dma_start3A_83 = arith.constant 0 : i32
        %dma_start3A_84 = arith.constant 0 : i32
        %dma_start3A_85 = tpu.memref_slice %arg10[%dma_start3A_83, %dma_start3A_84] : memref<10112x128xf32, #tpu.memory_space<vmem_shared>> -> memref<10112x128xf32, #tpu.memory_space<vmem_shared>>
        tpu.enqueue_indirect_dma source(%dma_start3A_79 : memref<96x128xf32, #tpu.memory_space<vmem>>) target(%dma_start3A_85 : memref<10112x128xf32, #tpu.memory_space<vmem_shared>>) offsets(%dma_start3A_82 : memref<96xi32, #tpu.memory_space<vmem>>) semaphore(%run_scoped3A_75 : memref<!tpu.dma_semaphore, #tpu.memory_space<semaphore_mem>>) {add = true}
        %dma_wait3A_86 = arith.constant 0 : i32
        %dma_wait3A_87 = arith.constant 0 : i32
        %dma_wait3A_88 = tpu.memref_slice %arg9[%run_scoped3A, %dma_wait3A_86, %dma_wait3A_87] : memref<2x96x128xf32, #tpu.memory_space<vmem>> -> memref<1x96x128xf32, #tpu.memory_space<vmem>>
        %dma_wait3A_89 = tpu.memref_squeeze %dma_wait3A_88 : memref<1x96x128xf32, #tpu.memory_space<vmem>> -> memref<96x128xf32, #tpu.memory_space<vmem>>
        %dma_wait3A_90 = arith.constant 0 : i32
        %dma_wait3A_91 = tpu.memref_slice %arg8[%add3A_39, %dma_wait3A_90] : memref<106x96xi32, #tpu.memory_space<vmem>> -> memref<1x96xi32, #tpu.memory_space<vmem>>
        %dma_wait3A_92 = tpu.memref_squeeze %dma_wait3A_91 : memref<1x96xi32, #tpu.memory_space<vmem>> -> memref<96xi32, #tpu.memory_space<vmem>>
        %dma_wait3A_93 = arith.constant 0 : i32
        %dma_wait3A_94 = arith.constant 0 : i32
        %dma_wait3A_95 = tpu.memref_slice %arg10[%dma_wait3A_93, %dma_wait3A_94] : memref<10112x128xf32, #tpu.memory_space<vmem_shared>> -> memref<10112x128xf32, #tpu.memory_space<vmem_shared>>
        tpu.wait_indirect_dma semaphore(%run_scoped3A_75 : memref<!tpu.dma_semaphore, #tpu.memory_space<semaphore_mem>>) src(%dma_wait3A_89 : memref<96x128xf32, #tpu.memory_space<vmem>>) dst(%dma_wait3A_95 : memref<10112x128xf32, #tpu.memory_space<vmem_shared>>)
        tpu.yield
      }) : () -> ()
      %add3A_50 = arith.constant 2 : i32
      %add3A_51 = arith.addi %add3A_39, %add3A_50 : i32
      %lt3A = arith.constant 106 : i32
      %lt3A_52 = arith.cmpi slt, %add3A_51, %lt3A : i32
      %convert_element_type3A = arith.extui %lt3A_52 : i1 to i32
      %cond3A = arith.constant 0 : i32
      %cond3A_53 = arith.cmpi ne, %convert_element_type3A, %cond3A : i32
      scf.if %cond3A_53 {
        %add3A_75 = arith.constant 2 : i32
        %add3A_76 = arith.addi %add3A_39, %add3A_75 : i32
        %mul3A_77 = arith.constant 96 : i32
        %mul3A_78 = arith.muli %add3A_76, %mul3A_77 : i32
        %dma_start3A_79 = arith.constant 0 : i32
        %dma_start3A_80 = arith.constant 0 : i32
        %dma_start3A_81 = arith.constant 0 : i32
        %dma_start3A_82 = tpu.memref_slice %arg9[%dma_start3A_79, %dma_start3A_80, %dma_start3A_81] : memref<2x96x128xf32, #tpu.memory_space<vmem>> -> memref<1x96x128xf32, #tpu.memory_space<vmem>>
        %dma_start3A_83 = tpu.memref_squeeze %dma_start3A_82 : memref<1x96x128xf32, #tpu.memory_space<vmem>> -> memref<96x128xf32, #tpu.memory_space<vmem>>
        %dma_start3A_84 = tpu.memref_slice %arg7[%mul3A_78] : memref<10176xi32, #tpu.memory_space<vmem>> -> memref<96xi32, #tpu.memory_space<vmem>>
        %dma_start3A_85 = arith.constant 0 : i32
        %dma_start3A_86 = arith.constant 0 : i32
        %dma_start3A_87 = tpu.memref_slice %arg2[%dma_start3A_85, %dma_start3A_86] : memref<10112x128xf32, #tpu.memory_space<hbm>> -> memref<10112x128xf32, #tpu.memory_space<hbm>>
        tpu.enqueue_indirect_dma source(%dma_start3A_87 : memref<10112x128xf32, #tpu.memory_space<hbm>>) target(%dma_start3A_83 : memref<96x128xf32, #tpu.memory_space<vmem>>) offsets(%dma_start3A_84 : memref<96xi32, #tpu.memory_space<vmem>>) semaphore(%arg11 : memref<!tpu.dma_semaphore, #tpu.memory_space<semaphore_mem>>)
      } else {
      }
      %add3A_54 = arith.constant 1 : i32
      %add3A_55 = arith.addi %add3A_37, %add3A_54 : i32
      %mul3A_56 = arith.constant 96 : i32
      %mul3A_57 = arith.muli %add3A_55, %mul3A_56 : i32
      %dma_wait3A_58 = arith.constant 1 : i32
      %dma_wait3A_59 = arith.constant 0 : i32
      %dma_wait3A_60 = arith.constant 0 : i32
      %dma_wait3A_61 = tpu.memref_slice %arg9[%dma_wait3A_58, %dma_wait3A_59, %dma_wait3A_60] : memref<2x96x128xf32, #tpu.memory_space<vmem>> -> memref<1x96x128xf32, #tpu.memory_space<vmem>>
      %dma_wait3A_62 = tpu.memref_squeeze %dma_wait3A_61 : memref<1x96x128xf32, #tpu.memory_space<vmem>> -> memref<96x128xf32, #tpu.memory_space<vmem>>
      %dma_wait3A_63 = tpu.memref_slice %arg7[%mul3A_57] : memref<10176xi32, #tpu.memory_space<vmem>> -> memref<96xi32, #tpu.memory_space<vmem>>
      %dma_wait3A_64 = arith.constant 0 : i32
      %dma_wait3A_65 = arith.constant 0 : i32
      %dma_wait3A_66 = tpu.memref_slice %arg2[%dma_wait3A_64, %dma_wait3A_65] : memref<10112x128xf32, #tpu.memory_space<hbm>> -> memref<10112x128xf32, #tpu.memory_space<hbm>>
      tpu.wait_indirect_dma semaphore(%arg12 : memref<!tpu.dma_semaphore, #tpu.memory_space<semaphore_mem>>) src(%dma_wait3A_66 : memref<10112x128xf32, #tpu.memory_space<hbm>>) dst(%dma_wait3A_62 : memref<96x128xf32, #tpu.memory_space<vmem>>)
      %run_scoped3A_67 = arith.constant 1 : i32
      "tpu.region"() ({
        %run_scoped3A_75 = tpu.sem_alloc : memref<!tpu.dma_semaphore, #tpu.memory_space<semaphore_mem>>
        %dma_start3A_76 = arith.constant 0 : i32
        %dma_start3A_77 = arith.constant 0 : i32
        %dma_start3A_78 = tpu.memref_slice %arg9[%run_scoped3A_67, %dma_start3A_76, %dma_start3A_77] : memref<2x96x128xf32, #tpu.memory_space<vmem>> -> memref<1x96x128xf32, #tpu.memory_space<vmem>>
        %dma_start3A_79 = tpu.memref_squeeze %dma_start3A_78 : memref<1x96x128xf32, #tpu.memory_space<vmem>> -> memref<96x128xf32, #tpu.memory_space<vmem>>
        %dma_start3A_80 = arith.constant 0 : i32
        %dma_start3A_81 = tpu.memref_slice %arg8[%add3A_55, %dma_start3A_80] : memref<106x96xi32, #tpu.memory_space<vmem>> -> memref<1x96xi32, #tpu.memory_space<vmem>>
        %dma_start3A_82 = tpu.memref_squeeze %dma_start3A_81 : memref<1x96xi32, #tpu.memory_space<vmem>> -> memref<96xi32, #tpu.memory_space<vmem>>
        %dma_start3A_83 = arith.constant 0 : i32
        %dma_start3A_84 = arith.constant 0 : i32
        %dma_start3A_85 = tpu.memref_slice %arg10[%dma_start3A_83, %dma_start3A_84] : memref<10112x128xf32, #tpu.memory_space<vmem_shared>> -> memref<10112x128xf32, #tpu.memory_space<vmem_shared>>
        tpu.enqueue_indirect_dma source(%dma_start3A_79 : memref<96x128xf32, #tpu.memory_space<vmem>>) target(%dma_start3A_85 : memref<10112x128xf32, #tpu.memory_space<vmem_shared>>) offsets(%dma_start3A_82 : memref<96xi32, #tpu.memory_space<vmem>>) semaphore(%run_scoped3A_75 : memref<!tpu.dma_semaphore, #tpu.memory_space<semaphore_mem>>) {add = true}
        %dma_wait3A_86 = arith.constant 0 : i32
        %dma_wait3A_87 = arith.constant 0 : i32
        %dma_wait3A_88 = tpu.memref_slice %arg9[%run_scoped3A_67, %dma_wait3A_86, %dma_wait3A_87] : memref<2x96x128xf32, #tpu.memory_space<vmem>> -> memref<1x96x128xf32, #tpu.memory_space<vmem>>
        %dma_wait3A_89 = tpu.memref_squeeze %dma_wait3A_88 : memref<1x96x128xf32, #tpu.memory_space<vmem>> -> memref<96x128xf32, #tpu.memory_space<vmem>>
        %dma_wait3A_90 = arith.constant 0 : i32
        %dma_wait3A_91 = tpu.memref_slice %arg8[%add3A_55, %dma_wait3A_90] : memref<106x96xi32, #tpu.memory_space<vmem>> -> memref<1x96xi32, #tpu.memory_space<vmem>>
        %dma_wait3A_92 = tpu.memref_squeeze %dma_wait3A_91 : memref<1x96xi32, #tpu.memory_space<vmem>> -> memref<96xi32, #tpu.memory_space<vmem>>
        %dma_wait3A_93 = arith.constant 0 : i32
        %dma_wait3A_94 = arith.constant 0 : i32
        %dma_wait3A_95 = tpu.memref_slice %arg10[%dma_wait3A_93, %dma_wait3A_94] : memref<10112x128xf32, #tpu.memory_space<vmem_shared>> -> memref<10112x128xf32, #tpu.memory_space<vmem_shared>>
        tpu.wait_indirect_dma semaphore(%run_scoped3A_75 : memref<!tpu.dma_semaphore, #tpu.memory_space<semaphore_mem>>) src(%dma_wait3A_89 : memref<96x128xf32, #tpu.memory_space<vmem>>) dst(%dma_wait3A_95 : memref<10112x128xf32, #tpu.memory_space<vmem_shared>>)
        tpu.yield
      }) : () -> ()
      %add3A_68 = arith.constant 2 : i32
      %add3A_69 = arith.addi %add3A_55, %add3A_68 : i32
      %lt3A_70 = arith.constant 106 : i32
      %lt3A_71 = arith.cmpi slt, %add3A_69, %lt3A_70 : i32
      %convert_element_type3A_72 = arith.extui %lt3A_71 : i1 to i32
      %cond3A_73 = arith.constant 0 : i32
      %cond3A_74 = arith.cmpi ne, %convert_element_type3A_72, %cond3A_73 : i32
      scf.if %cond3A_74 {
        %add3A_75 = arith.constant 2 : i32
        %add3A_76 = arith.addi %add3A_55, %add3A_75 : i32
        %mul3A_77 = arith.constant 96 : i32
        %mul3A_78 = arith.muli %add3A_76, %mul3A_77 : i32
        %dma_start3A_79 = arith.constant 1 : i32
        %dma_start3A_80 = arith.constant 0 : i32
        %dma_start3A_81 = arith.constant 0 : i32
        %dma_start3A_82 = tpu.memref_slice %arg9[%dma_start3A_79, %dma_start3A_80, %dma_start3A_81] : memref<2x96x128xf32, #tpu.memory_space<vmem>> -> memref<1x96x128xf32, #tpu.memory_space<vmem>>
        %dma_start3A_83 = tpu.memref_squeeze %dma_start3A_82 : memref<1x96x128xf32, #tpu.memory_space<vmem>> -> memref<96x128xf32, #tpu.memory_space<vmem>>
        %dma_start3A_84 = tpu.memref_slice %arg7[%mul3A_78] : memref<10176xi32, #tpu.memory_space<vmem>> -> memref<96xi32, #tpu.memory_space<vmem>>
        %dma_start3A_85 = arith.constant 0 : i32
        %dma_start3A_86 = arith.constant 0 : i32
        %dma_start3A_87 = tpu.memref_slice %arg2[%dma_start3A_85, %dma_start3A_86] : memref<10112x128xf32, #tpu.memory_space<hbm>> -> memref<10112x128xf32, #tpu.memory_space<hbm>>
        tpu.enqueue_indirect_dma source(%dma_start3A_87 : memref<10112x128xf32, #tpu.memory_space<hbm>>) target(%dma_start3A_83 : memref<96x128xf32, #tpu.memory_space<vmem>>) offsets(%dma_start3A_84 : memref<96xi32, #tpu.memory_space<vmem>>) semaphore(%arg12 : memref<!tpu.dma_semaphore, #tpu.memory_space<semaphore_mem>>)
      } else {
      }
    }
    %scan3A_27 = arith.constant 53 : i32
    %barrier3A_28 = arith.constant 0 : index
    tpu.barrier barrier_id(%barrier3A_28)
    %mul3A_29 = arith.constant 632 : i32
    %mul3A_30 = arith.muli %arg1, %mul3A_29 : i32
    %mul3A_31 = arith.constant 632 : i32
    %mul3A_32 = arith.muli %arg1, %mul3A_31 : i32
    "tpu.region"() ({
      %run_scoped3A = tpu.sem_alloc : memref<!tpu.dma_semaphore, #tpu.memory_space<semaphore_mem>>
      %dma_start3A_33 = arith.constant 0 : i32
      %dma_start3A_34 = tpu.memref_slice %arg6[%arg0, %mul3A_32, %dma_start3A_33] : memref<2x10112x128xf32, #tpu.memory_space<hbm>> -> memref<1x632x128xf32, #tpu.memory_space<hbm>>
      %dma_start3A_35 = tpu.memref_squeeze %dma_start3A_34 : memref<1x632x128xf32, #tpu.memory_space<hbm>> -> memref<632x128xf32, #tpu.memory_space<hbm>>
      %dma_start3A_36 = arith.constant 0 : i32
      %dma_start3A_37 = tpu.memref_slice %arg10[%mul3A_30, %dma_start3A_36] : memref<10112x128xf32, #tpu.memory_space<vmem_shared>> -> memref<632x128xf32, #tpu.memory_space<vmem_shared>>
      tpu.enqueue_dma source(%dma_start3A_37 : memref<632x128xf32, #tpu.memory_space<vmem_shared>>) target(%dma_start3A_35 : memref<632x128xf32, #tpu.memory_space<hbm>>) target_semaphore(%run_scoped3A : memref<!tpu.dma_semaphore, #tpu.memory_space<semaphore_mem>>)
      %dma_wait3A = arith.constant 0 : i32
      %dma_wait3A_38 = tpu.memref_slice %arg6[%arg0, %mul3A_32, %dma_wait3A] : memref<2x10112x128xf32, #tpu.memory_space<hbm>> -> memref<1x632x128xf32, #tpu.memory_space<hbm>>
      %dma_wait3A_39 = tpu.memref_squeeze %dma_wait3A_38 : memref<1x632x128xf32, #tpu.memory_space<hbm>> -> memref<632x128xf32, #tpu.memory_space<hbm>>
      %dma_wait3A_40 = arith.constant 0 : i32
      %dma_wait3A_41 = tpu.memref_slice %arg10[%mul3A_30, %dma_wait3A_40] : memref<10112x128xf32, #tpu.memory_space<vmem_shared>> -> memref<632x128xf32, #tpu.memory_space<vmem_shared>>
      tpu.wait_dma2 semaphore(%run_scoped3A : memref<!tpu.dma_semaphore, #tpu.memory_space<semaphore_mem>>) src(%dma_wait3A_41 : memref<632x128xf32, #tpu.memory_space<vmem_shared>>) dst(%dma_wait3A_39 : memref<632x128xf32, #tpu.memory_space<hbm>>)
      tpu.yield
    }) : () -> ()
    return
  }
}

module attributes {stable_mosaic.version = 14 : i64} {
  func.func @body(%arg0: memref<10112x128xf32, #tpu.memory_space<vmem>>, %arg1: memref<128x128xf32, #tpu.memory_space<vmem>>, %arg2: memref<10112x128xf32, #tpu.memory_space<vmem>>) attributes {dimension_semantics = [], scalar_prefetch = 0 : i64, scratch_operands = 0 : i64, tpu.core_type = #tpu.core_type<tc>} {
    %get3A = arith.constant 0 : index
    %get3A_0 = arith.constant 0 : index
    %get3A_1 = vector.load %arg0[%get3A, %get3A_0] : memref<10112x128xf32, #tpu.memory_space<vmem>>, vector<10112x128xf32>
    %convert_element_type3A = arith.truncf %get3A_1 : vector<10112x128xf32> to vector<10112x128xbf16>
    %convert_element_type3A_2 = arith.extf %convert_element_type3A : vector<10112x128xbf16> to vector<10112x128xf32>
    %get3A_3 = arith.constant 0 : index
    %get3A_4 = arith.constant 0 : index
    %get3A_5 = vector.load %arg1[%get3A_3, %get3A_4] : memref<128x128xf32, #tpu.memory_space<vmem>>, vector<128x128xf32>
    %convert_element_type3A_6 = arith.truncf %get3A_5 : vector<128x128xf32> to vector<128x128xbf16>
    %convert_element_type3A_7 = arith.extf %convert_element_type3A_6 : vector<128x128xbf16> to vector<128x128xf32>
    %dot_general3A = arith.constant dense<0.000000e+00> : vector<10112x128xf32>
    %dot_general3A_8 = tpu.matmul %convert_element_type3A_2, %convert_element_type3A_7, %dot_general3A {dimension_numbers = #tpu.dot_dimension_numbers<[1], [0], [0], [1], [0, 0, 1, 1], [], []>, precision = #tpu.contract_precision<fp32>, transpose_lhs_hint = false} : vector<10112x128xf32>, vector<128x128xf32>, vector<10112x128xf32> -> vector<10112x128xf32>
    %swap3A = arith.constant 0 : index
    %swap3A_9 = arith.constant 0 : index
    %swap3A_10 = vector.load %arg2[%swap3A, %swap3A_9] : memref<10112x128xf32, #tpu.memory_space<vmem>>, vector<10112x128xf32>
    tpu.vector_store %arg2[%swap3A, %swap3A_9], %dot_general3A_8 {strides = array<i32>} : memref<10112x128xf32, #tpu.memory_space<vmem>>, vector<10112x128xf32>,
    return
  }
}

module attributes {stable_mosaic.version = 14 : i64} {
  func.func @body(%arg0: memref<2x10112x128xf32, #tpu.memory_space<vmem>>, %arg1: memref<10112x128xf32, #tpu.memory_space<vmem>>, %arg2: memref<128x128xf32, #tpu.memory_space<vmem>>, %arg3: memref<1x128xf32, #tpu.memory_space<vmem>>, %arg4: memref<128x128xf32, #tpu.memory_space<vmem>>, %arg5: memref<10112x128xf32, #tpu.memory_space<vmem>>, %arg6: memref<10112x128xf32, #tpu.memory_space<vmem>>) attributes {dimension_semantics = [], scalar_prefetch = 0 : i64, scratch_operands = 0 : i64, tpu.core_type = #tpu.core_type<tc>} {
    %get3A = arith.constant 0 : index
    %get3A_0 = arith.constant 0 : index
    %get3A_1 = arith.constant 0 : index
    %get3A_2 = vector.load %arg0[%get3A, %get3A_0, %get3A_1] : memref<2x10112x128xf32, #tpu.memory_space<vmem>>, vector<1x10112x128xf32>
    %get3A_3 = vector.shape_cast %get3A_2 : vector<1x10112x128xf32> to vector<10112x128xf32>
    %get3A_4 = arith.constant 1 : index
    %get3A_5 = arith.constant 0 : index
    %get3A_6 = arith.constant 0 : index
    %get3A_7 = vector.load %arg0[%get3A_4, %get3A_5, %get3A_6] : memref<2x10112x128xf32, #tpu.memory_space<vmem>>, vector<1x10112x128xf32>
    %get3A_8 = vector.shape_cast %get3A_7 : vector<1x10112x128xf32> to vector<10112x128xf32>
    %add3A = arith.addf %get3A_3, %get3A_8 : vector<10112x128xf32>
    %get3A_9 = arith.constant 0 : index
    %get3A_10 = arith.constant 0 : index
    %get3A_11 = vector.load %arg1[%get3A_9, %get3A_10] : memref<10112x128xf32, #tpu.memory_space<vmem>>, vector<10112x128xf32>
    %convert_element_type3A = arith.truncf %get3A_11 : vector<10112x128xf32> to vector<10112x128xbf16>
    %convert_element_type3A_12 = arith.extf %convert_element_type3A : vector<10112x128xbf16> to vector<10112x128xf32>
    %get3A_13 = arith.constant 0 : index
    %get3A_14 = arith.constant 0 : index
    %get3A_15 = vector.load %arg2[%get3A_13, %get3A_14] : memref<128x128xf32, #tpu.memory_space<vmem>>, vector<128x128xf32>
    %convert_element_type3A_16 = arith.truncf %get3A_15 : vector<128x128xf32> to vector<128x128xbf16>
    %convert_element_type3A_17 = arith.extf %convert_element_type3A_16 : vector<128x128xbf16> to vector<128x128xf32>
    %dot_general3A = arith.constant dense<0.000000e+00> : vector<10112x128xf32>
    %dot_general3A_18 = tpu.matmul %convert_element_type3A_12, %convert_element_type3A_17, %dot_general3A {dimension_numbers = #tpu.dot_dimension_numbers<[1], [0], [0], [1], [0, 0, 1, 1], [], []>, precision = #tpu.contract_precision<fp32>, transpose_lhs_hint = false} : vector<10112x128xf32>, vector<128x128xf32>, vector<10112x128xf32> -> vector<10112x128xf32>
    %add3A_19 = arith.addf %add3A, %dot_general3A_18 : vector<10112x128xf32>
    %get3A_20 = arith.constant 0 : index
    %get3A_21 = arith.constant 0 : index
    %get3A_22 = vector.load %arg3[%get3A_20, %get3A_21] : memref<1x128xf32, #tpu.memory_space<vmem>>, vector<1x128xf32>
    %add3A_23 = vector.broadcast %get3A_22 : vector<1x128xf32> to vector<10112x128xf32>
    %add3A_24 = arith.addf %add3A_19, %add3A_23 : vector<10112x128xf32>
    %max3A = arith.constant 0.000000e+00 : f32
    %max3A_25 = vector.broadcast %max3A : f32 to vector<10112x128xf32>
    %max3A_26 = arith.maximumf %add3A_24, %max3A_25 : vector<10112x128xf32>
    %iota3A = tpu.iota {dimensions = array<i32: 0>} : vector<10112x128xi32>
    %lt3A = arith.constant 10000 : i32
    %lt3A_27 = vector.broadcast %lt3A : i32 to vector<10112x128xi32>
    %lt3A_28 = arith.cmpi slt, %iota3A, %lt3A_27 : vector<10112x128xi32>
    %jit3A = arith.constant 0.000000e+00 : f32
    %broadcast_in_dim3A = vector.broadcast %jit3A : f32 to vector<10112x128xf32>
    %select_n3A = arith.select %lt3A_28, %max3A_26, %broadcast_in_dim3A : vector<10112x128xi1>, vector<10112x128xf32>
    %swap3A = arith.constant 0 : index
    %swap3A_29 = arith.constant 0 : index
    %swap3A_30 = vector.load %arg5[%swap3A, %swap3A_29] : memref<10112x128xf32, #tpu.memory_space<vmem>>, vector<10112x128xf32>
    tpu.vector_store %arg5[%swap3A, %swap3A_29], %select_n3A {strides = array<i32>} : memref<10112x128xf32, #tpu.memory_space<vmem>>, vector<10112x128xf32>,
    %convert_element_type3A_31 = arith.truncf %select_n3A : vector<10112x128xf32> to vector<10112x128xbf16>
    %convert_element_type3A_32 = arith.extf %convert_element_type3A_31 : vector<10112x128xbf16> to vector<10112x128xf32>
    %get3A_33 = arith.constant 0 : index
    %get3A_34 = arith.constant 0 : index
    %get3A_35 = vector.load %arg4[%get3A_33, %get3A_34] : memref<128x128xf32, #tpu.memory_space<vmem>>, vector<128x128xf32>
    %convert_element_type3A_36 = arith.truncf %get3A_35 : vector<128x128xf32> to vector<128x128xbf16>
    %convert_element_type3A_37 = arith.extf %convert_element_type3A_36 : vector<128x128xbf16> to vector<128x128xf32>
    %dot_general3A_38 = arith.constant dense<0.000000e+00> : vector<10112x128xf32>
    %dot_general3A_39 = tpu.matmul %convert_element_type3A_32, %convert_element_type3A_37, %dot_general3A_38 {dimension_numbers = #tpu.dot_dimension_numbers<[1], [0], [0], [1], [0, 0, 1, 1], [], []>, precision = #tpu.contract_precision<fp32>, transpose_lhs_hint = false} : vector<10112x128xf32>, vector<128x128xf32>, vector<10112x128xf32> -> vector<10112x128xf32>
    %swap3A_40 = arith.constant 0 : index
    %swap3A_41 = arith.constant 0 : index
    %swap3A_42 = vector.load %arg6[%swap3A_40, %swap3A_41] : memref<10112x128xf32, #tpu.memory_space<vmem>>, vector<10112x128xf32>
    tpu.vector_store %arg6[%swap3A_40, %swap3A_41], %dot_general3A_39 {strides = array<i32>} : memref<10112x128xf32, #tpu.memory_space<vmem>>, vector<10112x128xf32>,
    return
  }
}

module attributes {stable_mosaic.version = 14 : i64} {
  func.func @body(%arg0: memref<2x10112x128xf32, #tpu.memory_space<vmem>>, %arg1: memref<10112x128xf32, #tpu.memory_space<vmem>>, %arg2: memref<128x128xf32, #tpu.memory_space<vmem>>, %arg3: memref<1x128xf32, #tpu.memory_space<vmem>>, %arg4: memref<128x1xf32, #tpu.memory_space<vmem>>, %arg5: memref<1x1xf32, #tpu.memory_space<vmem>>, %arg6: memref<1x10112xi32, #tpu.memory_space<vmem>>, %arg7: memref<8x128xf32, #tpu.memory_space<vmem>>, %arg8: memref<8x1xf32, #tpu.memory_space<vmem>>, %arg9: memref<8x256xf32, #tpu.memory_space<vmem>>) attributes {dimension_semantics = [], scalar_prefetch = 0 : i64, scratch_operands = 0 : i64, tpu.core_type = #tpu.core_type<tc>} {
    %get3A = arith.constant 0 : index
    %get3A_0 = arith.constant 0 : index
    %get3A_1 = arith.constant 0 : index
    %get3A_2 = vector.load %arg0[%get3A, %get3A_0, %get3A_1] : memref<2x10112x128xf32, #tpu.memory_space<vmem>>, vector<1x10112x128xf32>
    %get3A_3 = vector.shape_cast %get3A_2 : vector<1x10112x128xf32> to vector<10112x128xf32>
    %get3A_4 = arith.constant 1 : index
    %get3A_5 = arith.constant 0 : index
    %get3A_6 = arith.constant 0 : index
    %get3A_7 = vector.load %arg0[%get3A_4, %get3A_5, %get3A_6] : memref<2x10112x128xf32, #tpu.memory_space<vmem>>, vector<1x10112x128xf32>
    %get3A_8 = vector.shape_cast %get3A_7 : vector<1x10112x128xf32> to vector<10112x128xf32>
    %add3A = arith.addf %get3A_3, %get3A_8 : vector<10112x128xf32>
    %get3A_9 = arith.constant 0 : index
    %get3A_10 = arith.constant 0 : index
    %get3A_11 = vector.load %arg1[%get3A_9, %get3A_10] : memref<10112x128xf32, #tpu.memory_space<vmem>>, vector<10112x128xf32>
    %convert_element_type3A = arith.truncf %get3A_11 : vector<10112x128xf32> to vector<10112x128xbf16>
    %convert_element_type3A_12 = arith.extf %convert_element_type3A : vector<10112x128xbf16> to vector<10112x128xf32>
    %get3A_13 = arith.constant 0 : index
    %get3A_14 = arith.constant 0 : index
    %get3A_15 = vector.load %arg2[%get3A_13, %get3A_14] : memref<128x128xf32, #tpu.memory_space<vmem>>, vector<128x128xf32>
    %convert_element_type3A_16 = arith.truncf %get3A_15 : vector<128x128xf32> to vector<128x128xbf16>
    %convert_element_type3A_17 = arith.extf %convert_element_type3A_16 : vector<128x128xbf16> to vector<128x128xf32>
    %dot_general3A = arith.constant dense<0.000000e+00> : vector<10112x128xf32>
    %dot_general3A_18 = tpu.matmul %convert_element_type3A_12, %convert_element_type3A_17, %dot_general3A {dimension_numbers = #tpu.dot_dimension_numbers<[1], [0], [0], [1], [0, 0, 1, 1], [], []>, precision = #tpu.contract_precision<fp32>, transpose_lhs_hint = false} : vector<10112x128xf32>, vector<128x128xf32>, vector<10112x128xf32> -> vector<10112x128xf32>
    %add3A_19 = arith.addf %add3A, %dot_general3A_18 : vector<10112x128xf32>
    %get3A_20 = arith.constant 0 : index
    %get3A_21 = arith.constant 0 : index
    %get3A_22 = vector.load %arg3[%get3A_20, %get3A_21] : memref<1x128xf32, #tpu.memory_space<vmem>>, vector<1x128xf32>
    %add3A_23 = vector.broadcast %get3A_22 : vector<1x128xf32> to vector<10112x128xf32>
    %add3A_24 = arith.addf %add3A_19, %add3A_23 : vector<10112x128xf32>
    %max3A = arith.constant 0.000000e+00 : f32
    %max3A_25 = vector.broadcast %max3A : f32 to vector<10112x128xf32>
    %max3A_26 = arith.maximumf %add3A_24, %max3A_25 : vector<10112x128xf32>
    %iota3A = tpu.iota {dimensions = array<i32: 0>} : vector<10112x128xi32>
    %lt3A = arith.constant 10000 : i32
    %lt3A_27 = vector.broadcast %lt3A : i32 to vector<10112x128xi32>
    %lt3A_28 = arith.cmpi slt, %iota3A, %lt3A_27 : vector<10112x128xi32>
    %jit3A = arith.constant 0.000000e+00 : f32
    %broadcast_in_dim3A = vector.broadcast %jit3A : f32 to vector<10112x128xf32>
    %select_n3A = arith.select %lt3A_28, %max3A_26, %broadcast_in_dim3A : vector<10112x128xi1>, vector<10112x128xf32>
    %convert_element_type3A_29 = arith.truncf %select_n3A : vector<10112x128xf32> to vector<10112x128xbf16>
    %convert_element_type3A_30 = arith.extf %convert_element_type3A_29 : vector<10112x128xbf16> to vector<10112x128xf32>
    %get3A_31 = arith.constant 0 : index
    %get3A_32 = arith.constant 0 : index
    %get3A_33 = vector.load %arg4[%get3A_31, %get3A_32] : memref<128x1xf32, #tpu.memory_space<vmem>>, vector<128x1xf32>
    %convert_element_type3A_34 = arith.truncf %get3A_33 : vector<128x1xf32> to vector<128x1xbf16>
    %convert_element_type3A_35 = arith.extf %convert_element_type3A_34 : vector<128x1xbf16> to vector<128x1xf32>
    %dot_general3A_36 = arith.constant dense<0.000000e+00> : vector<10112x1xf32>
    %dot_general3A_37 = tpu.matmul %convert_element_type3A_30, %convert_element_type3A_35, %dot_general3A_36 {dimension_numbers = #tpu.dot_dimension_numbers<[1], [0], [0], [1], [0, 0, 1, 1], [], []>, precision = #tpu.contract_precision<fp32>, transpose_lhs_hint = false} : vector<10112x128xf32>, vector<128x1xf32>, vector<10112x1xf32> -> vector<10112x1xf32>
    %squeeze3A = vector.shape_cast %dot_general3A_37 : vector<10112x1xf32> to vector<10112xf32>
    %get3A_38 = arith.constant 0 : index
    %get3A_39 = arith.constant 0 : index
    %get3A_40 = vector.load %arg5[%get3A_38, %get3A_39] : memref<1x1xf32, #tpu.memory_space<vmem>>, vector<1x1xf32>
    %get3A_41 = vector.extract %get3A_40[0, 0] : f32 from vector<1x1xf32>
    %add3A_42 = vector.broadcast %get3A_41 : f32 to vector<10112xf32>
    %add3A_43 = arith.addf %squeeze3A, %add3A_42 : vector<10112xf32>
    %get3A_44 = arith.constant 0 : index
    %get3A_45 = arith.constant 0 : index
    %get3A_46 = vector.load %arg6[%get3A_44, %get3A_45] : memref<1x10112xi32, #tpu.memory_space<vmem>>, vector<1x10112xi32>
    %get3A_47 = vector.shape_cast %get3A_46 : vector<1x10112xi32> to vector<10112xi32>
    %lt3A_48 = arith.constant 256 : i32
    %lt3A_49 = vector.broadcast %lt3A_48 : i32 to vector<10112xi32>
    %lt3A_50 = arith.cmpi slt, %get3A_47, %lt3A_49 : vector<10112xi32>
    %iota3A_51 = tpu.iota {dimensions = array<i32: 0>} : vector<256x10112xi32>
    %broadcast_in_dim3A_52 = vector.shape_cast %get3A_47 : vector<10112xi32> to vector<1x10112xi32>
    %eq3A = vector.broadcast %broadcast_in_dim3A_52 : vector<1x10112xi32> to vector<256x10112xi32>
    %eq3A_53 = arith.cmpi eq, %eq3A, %iota3A_51 : vector<256x10112xi32>
    %broadcast_in_dim3A_54 = vector.shape_cast %add3A_43 : vector<10112xf32> to vector<1x10112xf32>
    %jit3A_55 = arith.constant 0xFF800000 : f32
    %broadcast_in_dim3A_56 = vector.shape_cast %broadcast_in_dim3A_54 : vector<1x10112xf32> to vector<1x10112xf32>
    %broadcast_in_dim3A_57 = vector.broadcast %broadcast_in_dim3A_56 : vector<1x10112xf32> to vector<256x10112xf32>
    %broadcast_in_dim3A_58 = vector.broadcast %jit3A_55 : f32 to vector<256x10112xf32>
    %select_n3A_59 = arith.select %eq3A_53, %broadcast_in_dim3A_57, %broadcast_in_dim3A_58 : vector<256x10112xi1>, vector<256x10112xf32>
    %reduce_max3A = arith.constant dense<0xFF800000> : vector<256xf32>
    %reduce_max3A_60 = vector.multi_reduction <maximumf>, %select_n3A_59, %reduce_max3A [1] : vector<256x10112xf32> to vector<256xf32>
    %broadcast_in_dim3A_61 = vector.shape_cast %reduce_max3A_60 : vector<256xf32> to vector<256x1xf32>
    %jit3A_62 = arith.constant 0.000000e+00 : f32
    %broadcast_in_dim3A_63 = vector.shape_cast %broadcast_in_dim3A_61 : vector<256x1xf32> to vector<256x1xf32>
    %broadcast_in_dim3A_64 = vector.broadcast %broadcast_in_dim3A_63 : vector<256x1xf32> to vector<256x10112xf32>
    %broadcast_in_dim3A_65 = vector.broadcast %jit3A_62 : f32 to vector<256x10112xf32>
    %select_n3A_66 = arith.select %eq3A_53, %broadcast_in_dim3A_64, %broadcast_in_dim3A_65 : vector<256x10112xi1>, vector<256x10112xf32>
    %reduce_sum3A = arith.constant dense<0.000000e+00> : vector<10112xf32>
    %reduce_sum3A_67 = vector.multi_reduction <add>, %select_n3A_66, %reduce_sum3A [0] : vector<256x10112xf32> to vector<10112xf32>
    %sub3A = arith.subf %add3A_43, %reduce_sum3A_67 : vector<10112xf32>
    %exp3A = math.exp %sub3A : vector<10112xf32>
    %jit3A_68 = arith.constant 0.000000e+00 : f32
    %broadcast_in_dim3A_69 = vector.broadcast %jit3A_68 : f32 to vector<10112xf32>
    %select_n3A_70 = arith.select %lt3A_50, %exp3A, %broadcast_in_dim3A_69 : vector<10112xi1>, vector<10112xf32>
    %broadcast_in_dim3A_71 = vector.shape_cast %select_n3A_70 : vector<10112xf32> to vector<1x10112xf32>
    %jit3A_72 = arith.constant 0.000000e+00 : f32
    %broadcast_in_dim3A_73 = vector.shape_cast %broadcast_in_dim3A_71 : vector<1x10112xf32> to vector<1x10112xf32>
    %broadcast_in_dim3A_74 = vector.broadcast %broadcast_in_dim3A_73 : vector<1x10112xf32> to vector<256x10112xf32>
    %broadcast_in_dim3A_75 = vector.broadcast %jit3A_72 : f32 to vector<256x10112xf32>
    %select_n3A_76 = arith.select %eq3A_53, %broadcast_in_dim3A_74, %broadcast_in_dim3A_75 : vector<256x10112xi1>, vector<256x10112xf32>
    %reduce_sum3A_77 = arith.constant dense<0.000000e+00> : vector<256xf32>
    %reduce_sum3A_78 = vector.multi_reduction <add>, %select_n3A_76, %reduce_sum3A_77 [1] : vector<256x10112xf32> to vector<256xf32>
    %broadcast_in_dim3A_79 = vector.shape_cast %reduce_sum3A_78 : vector<256xf32> to vector<256x1xf32>
    %jit3A_80 = arith.constant 0.000000e+00 : f32
    %broadcast_in_dim3A_81 = vector.shape_cast %broadcast_in_dim3A_79 : vector<256x1xf32> to vector<256x1xf32>
    %broadcast_in_dim3A_82 = vector.broadcast %broadcast_in_dim3A_81 : vector<256x1xf32> to vector<256x10112xf32>
    %broadcast_in_dim3A_83 = vector.broadcast %jit3A_80 : f32 to vector<256x10112xf32>
    %select_n3A_84 = arith.select %eq3A_53, %broadcast_in_dim3A_82, %broadcast_in_dim3A_83 : vector<256x10112xi1>, vector<256x10112xf32>
    %reduce_sum3A_85 = arith.constant dense<0.000000e+00> : vector<10112xf32>
    %reduce_sum3A_86 = vector.multi_reduction <add>, %select_n3A_84, %reduce_sum3A_85 [0] : vector<256x10112xf32> to vector<10112xf32>
    %max3A_87 = arith.constant 9.99999996E-13 : f32
    %max3A_88 = vector.broadcast %max3A_87 : f32 to vector<10112xf32>
    %max3A_89 = arith.maximumf %reduce_sum3A_86, %max3A_88 : vector<10112xf32>
    %div3A = arith.divf %select_n3A_70, %max3A_89 : vector<10112xf32>
    %jit3A_90 = arith.constant 0.000000e+00 : f32
    %broadcast_in_dim3A_91 = vector.broadcast %jit3A_90 : f32 to vector<10112xf32>
    %select_n3A_92 = arith.select %lt3A_50, %div3A, %broadcast_in_dim3A_91 : vector<10112xi1>, vector<10112xf32>
    %convert_element_type3A_93 = arith.extui %eq3A_53 : vector<256x10112xi1> to vector<256x10112xi32>
    %convert_element_type3A_94 = arith.sitofp %convert_element_type3A_93 : vector<256x10112xi32> to vector<256x10112xf32>
    %broadcast_in_dim3A_95 = vector.shape_cast %select_n3A_92 : vector<10112xf32> to vector<10112x1xf32>
    %mul3A = vector.broadcast %broadcast_in_dim3A_95 : vector<10112x1xf32> to vector<10112x128xf32>
    %mul3A_96 = arith.mulf %mul3A, %select_n3A : vector<10112x128xf32>
    %dot_general3A_97 = arith.constant dense<0.000000e+00> : vector<256x128xf32>
    %dot_general3A_98 = tpu.matmul %convert_element_type3A_94, %mul3A_96, %dot_general3A_97 {dimension_numbers = #tpu.dot_dimension_numbers<[1], [0], [0], [1], [0, 0, 1, 1], [], []>, precision = #tpu.contract_precision<fp32>, transpose_lhs_hint = false} : vector<256x10112xf32>, vector<10112x128xf32>, vector<256x128xf32> -> vector<256x128xf32>
    %get3A_99 = arith.constant 0 : index
    %get3A_100 = arith.constant 0 : index
    %get3A_101 = vector.load %arg7[%get3A_99, %get3A_100] : memref<8x128xf32, #tpu.memory_space<vmem>>, vector<8x128xf32>
    %convert_element_type3A_102 = arith.truncf %get3A_101 : vector<8x128xf32> to vector<8x128xbf16>
    %convert_element_type3A_103 = arith.extf %convert_element_type3A_102 : vector<8x128xbf16> to vector<8x128xf32>
    %convert_element_type3A_104 = arith.truncf %dot_general3A_98 : vector<256x128xf32> to vector<256x128xbf16>
    %convert_element_type3A_105 = arith.extf %convert_element_type3A_104 : vector<256x128xbf16> to vector<256x128xf32>
    %transpose3A = tpu.transpose %convert_element_type3A_105, [1, 0] : vector<256x128xf32> -> vector<128x256xf32>
    %dot_general3A_106 = arith.constant dense<0.000000e+00> : vector<8x256xf32>
    %dot_general3A_107 = tpu.matmul %convert_element_type3A_103, %transpose3A, %dot_general3A_106 {dimension_numbers = #tpu.dot_dimension_numbers<[1], [0], [0], [1], [0, 0, 1, 1], [], []>, precision = #tpu.contract_precision<fp32>, transpose_lhs_hint = false} : vector<8x128xf32>, vector<128x256xf32>, vector<8x256xf32> -> vector<8x256xf32>
    %get3A_108 = arith.constant 0 : index
    %get3A_109 = arith.constant 0 : index
    %get3A_110 = vector.load %arg8[%get3A_108, %get3A_109] : memref<8x1xf32, #tpu.memory_space<vmem>>, vector<8x1xf32>
    %add3A_111 = vector.broadcast %get3A_110 : vector<8x1xf32> to vector<8x256xf32>
    %add3A_112 = arith.addf %dot_general3A_107, %add3A_111 : vector<8x256xf32>
    %swap3A = arith.constant 0 : index
    %swap3A_113 = arith.constant 0 : index
    %swap3A_114 = vector.load %arg9[%swap3A, %swap3A_113] : memref<8x256xf32, #tpu.memory_space<vmem>>, vector<8x256xf32>
    tpu.vector_store %arg9[%swap3A, %swap3A_113], %add3A_112 {strides = array<i32>} : memref<8x256xf32, #tpu.memory_space<vmem>>, vector<8x256xf32>,
    return
  }
}

</mosaic_0001>

<sc_bundles>
// kernel: kernel.12.cloned.1.call-start
scs
__scs_entry_jumppad:
0x0: {  	(pc) =	sbr.rel $0x88, $3  }
0x1: {  	(tag) =	ssettag $0x0;
	lr =	simm.s32 $0x1  }
0x2: {  	[smem:$0x3F91] =	sst lr;
	_ =	strace $0xD0000000  }
0x3: {  	_ = 	snop  }
0x4: {  	_ = 	snop  }
0x5: {  	_ = 	snop  }
0x6: {  	_ = 	snop  }
0x7: {  	_ = 	snop  }
__scs_overlays_trampoline_lowered:
0x8: {  	[smem:$0x3FA0] =	sst s0  }
0x9: {  	[smem:$0x3FA1] =	sst s1  }
0xa: {  	[smem:$0x3FA2] =	sst s2  }
0xb: {  	[smem:$0x3FA3] =	sst s3  }
0xc: {  	[smem:$0x3FA4] =	sst s4  }
0xd: {  	[smem:$0x3FA5] =	sst s5  }
0xe: {  	[smem:$0x3FA6] =	sst s6  }
0xf: {  	[smem:$0x3FA7] =	sst s7  }
0x10: {  	[smem:$0x3FA8] =	sst s8  }
0x11: {  	[smem:$0x3FA9] =	sst s9;
	s0 =	simm.s32 @!p0 $0x0  }
0x12: {  	s1 =	sld [smem:$0x3F8F];
	s0 =	simm.s32 @p0 $0x1  }
0x13: {  	[smem:$0x3FAA] =	sst s0;
	s0 =	simm.s32 @!p1 $0x0  }
0x14: {  	s2 =	sld [smem:$0x3F8E];
	s0 =	simm.s32 @p1 $0x1  }
0x15: {  	[smem:$0x3FAB] =	sst s0;
	s0 =	simm.s32 @!p2 $0x0  }
0x16: {  	s3 =	sld [smem:$0x3FDB];
	s0 =	simm.s32 @p2 $0x1  }
0x17: {  	s4 =	simm.s32 $0x1BF5;
	[smem:$0x3FAD] =	sst s0  }
0x18: {  	s0 =	sld [smem:$0x3F90];
	_ =	swait.ge [sflag:s4], $0x0  }
0x19: {  	s7 =	sld [smem:$0x3F91]  }
0x1a: {  	s8 =	sadd.s32 $0xFFFFE003, lr  }
0x1b: {  	s9 =	sadd.s32 $0xFFFFFEF7, lr;
	s5 =	simm.s32 $0xFFFFFFFF;
	p2 =	slt.u32 s8, $0xFFFFF086  }
0x1c: {  	p1 =	slt.u32 s9, $0xF7A;
	s5 =	simm.s32 @!p2 $0x0  }
0x1d: {  	s5 =	simm.s32 @p1 $0x1;
	p0 =	seq.s32 s7, s2  }
0x1e: {  	s7 =	smul.u32 @!p0 $0xF7A, s2;
	p2 =	seq.s32 @!p0 s5, $0x0  }
0x1f: {  	s9 =	smul.u32 $0xF7A, s1;
	s8 =	simm.s32 @!p0 $0x1BF5;
	p2 =	por !p2, p0  }
0x20: {  	[sflag:s8] =	ssyncset.s32 @!p0 $0xFFFFF086;
	s6 =	sadd.s32 @!p0 s3, s7;
	s7 =	simm.s32 @!p0 $0x108  }
0x21: {  	s3 =	sadd.s32 s3, s9;
	s6 =	sadd.s32 @!p0 $0x88, s6;
	s7 =	simm.s32 @p2 $0x1082  }
0x22: {  	[simem:s7], [sflag:s8] =	dma.local @!p0 [hbm:s6], $0xF7A  }
0x23: {  	s9 =	sor.u32 $0xD0000000, s2;
	s6 =	simm.s32 $0x108;
	_ =	swait.ge @!p0 [sflag:s8], $0x0  }
0x24: {  	s3 =	sadd.s32 $0x88, s3;
	s6 =	simm.s32 @!p1 $0x1082;
	[sflag:s4] =	ssyncset.s32 $0xFFFFF086  }
0x25: {  	[simem:s6], [sflag:s4] =	dma.local [hbm:s3], $0xF7A  }
0x26: {  	[smem:$0x3F91] =	sst s1;
	(tag) =	ssettag s2;
	_ =	strace s9  }
0x27: {  	s1 =	sld [smem:$0x3FA1]  }
0x28: {  	s2 =	sld [smem:$0x3FA2]  }
0x29: {  	s4 =	sld [smem:$0x3FA4]  }
0x2a: {  	p0 =	seq.s32 s5, $0x0;
	s5 =	sld [smem:$0x3FA5]  }
0x2b: {  	s6 =	sld [smem:$0x3FA6]  }
0x2c: {  	s7 =	sld [smem:$0x3FA7]  }
0x2d: {  	s3 =	simm.s32 $0x108;
	s8 =	sld [smem:$0x3FA8]  }
0x2e: {  	s3 =	simm.s32 @!p0 $0x1082;
	s9 =	sld [smem:$0x3FA9]  }
0x2f: {  	lr =	sadd.s32 s0, s3;
	s0 =	sld [smem:$0x3FA0]  }
0x30: {  	s3 =	sld [smem:$0x3FA3]  }
0x31: {  	[smem:$0x3FAC] =	sst s10  }
0x32: {  	s10 =	sld [smem:$0x3FAA];
	_ =	sdelay $0x3  }
0x33: {  	p0 =	seq.s32 s10, $0x1;
	s10 =	sld [smem:$0x3FAC];
	_ =	sdelay $0x3  }
0x34: {  	[smem:$0x3FAC] =	sst s10  }
0x35: {  	s10 =	sld [smem:$0x3FAB];
	_ =	sdelay $0x3  }
0x36: {  	p1 =	seq.s32 s10, $0x1;
	s10 =	sld [smem:$0x3FAC];
	_ =	sdelay $0x3  }
0x37: {  	[smem:$0x3FAC] =	sst s10  }
0x38: {  	s10 =	sld [smem:$0x3FAD]  }
0x39: {  	_ = 	snop;
	(pc) =	sbr.ind lr, $3  }
0x3a: {  	_ = 	snop  }
0x3b: {  	_ = 	snop  }
0x3c: {  	p2 =	seq.s32 s10, $0x1;
	s10 =	sld [smem:$0x3FAC]  }
0x3d: {  	_ =	shalt  }
0x3e: {  	_ =	shalt  }
0x3f: {  	_ =	shalt  }
0x40: {  	_ =	shalt  }
0x41: {  	_ =	shalt  }
0x42: {  	_ =	shalt  }
0x43: {  	_ =	shalt  }
0x44: {  	_ =	shalt  }
0x45: {  	_ =	shalt  }
0x46: {  	_ =	shalt  }
0x47: {  	_ =	shalt  }
0x48: {  	_ =	shalt  }
0x49: {  	_ =	shalt  }
0x4a: {  	_ =	shalt  }
0x4b: {  	_ =	shalt  }
0x4c: {  	_ =	shalt  }
0x4d: {  	_ =	shalt  }
0x4e: {  	_ =	shalt  }
0x4f: {  	_ =	shalt  }
0x50: {  	_ =	shalt  }
0x51: {  	_ =	shalt  }
0x52: {  	_ =	shalt  }
0x53: {  	_ =	shalt  }
0x54: {  	_ =	shalt  }
0x55: {  	_ =	shalt  }
0x56: {  	_ =	shalt  }
0x57: {  	_ =	shalt  }
0x58: {  	_ =	shalt  }
0x59: {  	_ =	shalt  }
0x5a: {  	_ =	shalt  }
0x5b: {  	_ =	shalt  }
0x5c: {  	_ =	shalt  }
0x5d: {  	_ =	shalt  }
0x5e: {  	_ =	shalt  }
0x5f: {  	_ =	shalt  }
0x60: {  	_ =	shalt  }
0x61: {  	_ =	shalt  }
0x62: {  	_ =	shalt  }
0x63: {  	_ =	shalt  }
0x64: {  	_ =	shalt  }
0x65: {  	_ =	shalt  }
0x66: {  	_ =	shalt  }
0x67: {  	_ =	shalt  }
0x68: {  	_ =	shalt  }
0x69: {  	_ =	shalt  }
0x6a: {  	_ =	shalt  }
0x6b: {  	_ =	shalt  }
0x6c: {  	_ =	shalt  }
0x6d: {  	_ =	shalt  }
0x6e: {  	_ =	shalt  }
0x6f: {  	_ =	shalt  }
0x70: {  	_ =	shalt  }
0x71: {  	_ =	shalt  }
0x72: {  	_ =	shalt  }
0x73: {  	_ =	shalt  }
0x74: {  	_ =	shalt  }
0x75: {  	_ =	shalt  }
0x76: {  	_ =	shalt  }
0x77: {  	_ =	shalt  }
0x78: {  	_ =	shalt  }
0x79: {  	_ =	shalt  }
0x7a: {  	_ =	shalt  }
0x7b: {  	_ =	shalt  }
0x7c: {  	_ =	shalt  }
0x7d: {  	_ =	shalt  }
0x7e: {  	_ =	shalt  }
0x7f: {  	_ =	shalt  }
0x80: {  	_ =	shalt  }
0x81: {  	_ =	shalt  }
0x82: {  	_ =	shalt  }
0x83: {  	_ =	shalt  }
0x84: {  	_ =	shalt  }
0x85: {  	_ =	shalt  }
0x86: {  	_ =	shalt  }
0x87: {  	_ =	shalt  }
.Lfunc_end0:
.L_simem_size_0:
called_computation.1_lowered:
.L_overlay_start_0:
0x88: {  	s2 =	sld [smem:$0x3FD9]  }
0x89: {  	s3 =	sld [smem:$0x3FFE];
	_ =	sdelay $0x1  }
0x8a: {  	s1 =	srdreg.scid  }
0x8b: {  	s0 =	sand.u32 $0x1, s1  }
0x8c: {  	s16 =	sshll.u32 s0, $0xA;
	s2 =	sadd.s32 s3, s2  }
0x8d: {  	s2 =	sadd.s32 s2, s16  }
0x8e: {  	[smem:$0x3FB8] =	sst s2  }
0x8f: {  	_ = 	snop  }
0x90: {  	(tm) =	ssettm $0x1  }
0x91: {  	s17 =	sld [smem:$0x3FFB];
	_ =	sdelay $0x3  }
0x92: {  	_ =	strace s17  }
0x93: {  	s2 =	sld [smem:$0x3FFC];
	_ =	sdelay $0x3  }
0x94: {  	_ =	strace s2  }
0x95: {  	s2 =	sld [smem:$0x3FFD];
	_ =	sdelay $0x3  }
0x96: {  	_ =	strace s2  }
0x97: {  	_ =	strace $0x8FFFFFFF  }
0x98: {  	s18 =	sld [smem:$0x3FDB];
	_ =	sdelay $0x1  }
0x99: {  	s19 =	simm.s32 $_scs_section_size  }
0x9a: {  	s4 =	simm.s32 $_size__tile_overlayer_lowered;
	s5 =	simm.s32 $_tile_overlayer_lowered  }
0x9b: {  	s22 =	simm.s32 $0x1BFF;
	s21 =	sshll.u32 s5, $0x1;
	s2 =	sadd.s32 s19, s18  }
0x9c: {  	s6 =	simm.s32 $0x0;
	s20 =	sshll.u32 s4, $0x1;
	s4 =	sadd.s32 s21, s2  }
0x9d: {  	[timem:s6], [sflag:s22] =	dma.local [hbm:s4], s20  }
0x9e: {  	_ =	swait.ge [sflag:s22], s20  }
0x9f: {  	s3 =	ssub.s32 $0x0, s20;
	[sflag:s22] =	ssyncset.done $0x0  }
0xa0: {  	[sflag:s22] =	ssyncadd.s32 s3;
	_ =	sdelay $0x1  }
0xa1: {  	s23 =	simm.s32 $0x1B8B  }
0xa2: {  	_ =	swait.ge [sflag:s23], $0x1  }
0xa3: {  	[sflag:s23] =	ssyncset.done $0x0  }
0xa4: {  	s25 =	simm.s32 $0x1B8E;
	s24 =	sld [smem:$0x3FFE];
	[sflag:s23] =	ssyncadd.s32 $0xFFFFFFFF  }
0xa5: {  	s26 =	simm.s32 $execute0_lowered;
	[smem:$0x3FD2] =	sst s25  }
0xa6: {  	s4 =	sshll.u32 s26, $0x1;
	_ =	strace $0x80000049;
	[dreg:$0x1] =	wrdreg $0xFFFFFFFF  }
0xa7: {  	s28 =	simm.s32 $_size_execute0_lowered;
	s2 =	sadd.s32 s2, s4;
	[dreg:$0x0] =	wrdreg $0x0  }
0xa8: {  	s4 =	sshll.u32 s28, $0x1;
	[dreg:$0x2] =	wrdreg s2  }
0xa9: {  	[dreg:$0x3] =	wrdreg s4  }
0xaa: {  	[dreg:$0x4] =	wrdreg $0xC0  }
0xab: {  	_ =	task [dreg:s6], $0x5FFFF  }
0xac: {  	[dreg:$0x1] =	wrdreg $0xFFFFFFFF  }
0xad: {  	[dreg:$0x0] =	wrdreg $0x60  }
0xae: {  	[dreg:$0x2] =	wrdreg s24  }
0xaf: {  	[dreg:$0x3] =	wrdreg $0xC0000  }
0xb0: {  	[dreg:$0x4] =	wrdreg $0x9  }
0xb1: {  	_ =	task.clear_ibuf [dreg:s6], $0x5FFFF;
	_ =	strace $0x90000049  }
0xb2: {  	s29 =	simm.s32 $0x9;
	_ =	strace $0x8000004B  }
0xb3: {  	_ =	swait.ge [sflag:s29], $0x1  }
0xb4: {  	[sflag:s29] =	ssyncadd.s32 $0xFFFFFFFF  }
0xb5: {  	_ =	strace $0x9000004B  }
0xb6: {  	_ =	sfence  }
0xb7: {  	s30 =	sld [smem:$0x0];
	_ =	sdelay $0x2  }
0xb8: {  	s31 =	sshll.u32 s1, $0xD;
	s1 =	sshrl.u32 s1, $0x2  }
0xb9: {  	s3 =	sand.u32 $0x4000, s31;
	s1 =	sadd.s32 s1, s30  }
0xba: {  	s0 =	sor.u32 s3, s0;
	s1 =	sshll.u32 s1, $0x11  }
0xbb: {  	s0 =	sor.u32 s1, s0  }
0xbc: {  	s0 =	sadd.s32 $0x8F2B, s0  }
0xbd: {  	[sflag:s0] =	ssyncadd.remote.s32 $0x1  }
0xbe: {  	_ =	sfence.sel $0xFFFF  }
0xbf: {  	[dreg:$0x0] =	wrdreg $0xFFFFFFFF;
	(pc) =	sbr.abs _section_cstart, $3  }
0xc0: {  	[dreg:$0x1] =	wrdreg $0xFFFFFFFF  }
0xc1: {  	_ =	task.clear_ibuf [dreg:s6], $0x2FFFF;
	_ =	strace $0x9FFFFFFF  }
0xc2: {  	(tm) =	ssettm $0x7FFFFFFF  }
0xc3: {  	_ =	shalt  }
tec
execute0_lowered:
.L_overlay_start_1:
0x0: {  	(tag) =	ssettag $0x1  }
0x1: {  	s6 =	rddreg [dreg:$0x0]  }
0x2: {  	s0 =	srdreg.scid;
	s2 =	rddreg [dreg:$0x1]  }
0x3: {  	s3 =	simm.s32 $0x0;
	s15 =	simm.s32 $0x2800;
	s16 =	simm.s32 $0x60  }
0x4: {  	s17 =	simm.s32 $0x6000;
	s18 =	simm.s32 $0x9000;
	s19 =	simm.s32 $0x1  }
0x5: {  	s20 =	simm.s32 $0x2;
	s21 =	simm.s32 $0x5C00;
	s22 =	simm.s32 $0x5C80  }
0x6: {  	s23 =	simm.s32 $0x0;
	s5 =	sand.u32 $0x1, s0;
	s0 =	stileid.u32  }
0x7: {  	[smem:$0x7FF] =	sst s3;
	s1 =	sshll.u32 s5, $0x4;
	s28 =	smul.u32 $0x13C00, s0  }
0x8: {  	s8 =	sshll.u32 s0, $0x7;
	s10 =	smul.u32 $0x13C000, s5;
	s5 =	ssub.s32 $0x2, s5  }
0x9: {  	s29 =	smul.u32 $0x4F000, s0;
	s31 =	sshll.u32 s0, $0x6;
	s4 =	sor.u32 s0, s1  }
0xa: {  	s1 =	rddreg [dreg:$0x2];
	s8 =	sand.u32 $0x380, s8;
	_ =	strace $0x8000004A  }
0xb: {  	s12 =	sshrl.u32 s5, $0x1;
	s7 =	sshrl.u32 s4, $0x3;
	s9 =	smul.u32 $0x700, s4  }
0xc: {  	s4 =	sadd.s32 $0x1AC00, s6;
	s11 =	sshrl.u32 s28, $0x3;
	s12 =	ssub.s32 s5, s12  }
0xd: {  	s30 =	sshrl.u32 s29, $0x2;
	s7 =	smul.u32 $0x14000, s7;
	s11 =	sadd.s32 s11, s6  }
0xe: {  	s14 =	sadd.s32 s30, s2;
	s9 =	sadd.s32 s9, s6;
	s5 =	sadd.s32 $0x42400, s11  }
0xf: {  	s11 =	sshrl.u32 s14, $0x3;
	s14 =	simm.s32 $0x400;
	s7 =	sor.u32 s8, s7  }
0x10: {  	s8 =	sadd.s32 s28, s10;
	s10 =	smax.u32 s12, $0x1;
	s7 =	sshrl.u32 s7, $0x3  }
0x11: {  	s12 =	simm.s32 $0x3;
	s8 =	sshrl.u32 s8, $0x3;
	s7 =	sadd.s32 s7, s6  }
0x12: {  	s13 =	sadd.s32 s8, s6;
	s6 =	sor.u32 $0x1C03, s31;
	s8 =	sadd.s32 $0x2C00, s9  }
0x13: {  	s7 =	sadd.s32 $0x10C00, s7;
	s9 =	sadd.s32 $0x69C00, s13;
	s13 =	simm.s32 $0x80  }
.LBB2_1:
0x14: {  	[spmem:s11], [sflag:s6] =	dma.local [hbm:s5], $0x2780  }
0x15: {  	_ =	swait.ge [sflag:s12], $0x2780  }
0x16: {  	[sflag:s12] =	ssyncset.done $0x0  }
0x17: {  	[sflag:s12] =	ssyncadd.s32 $0xFFFFD880  }
0x18: {  	[tilespmem:s3], [sflag:$0x3] =	stream.strided.gather [hbm4b:s7+s13], $0x2800, s14, s13, $0x38;
	[tilespmem:$0x1FC00] =	vst v63  }
0x19: {  	_ =	swait.ge [sflag:s12], $0x2800  }
0x1a: {  	[sflag:s12] =	ssyncset.done $0x0  }
0x1b: {  	[sflag:s12] =	ssyncadd.s32 $0xFFFFD800  }
0x1c: {  	[tilespmem:s15], [sflag:$0x3] =	stream.linear.gather [hbm4b:s8+s3], $0x3500, $0x38;
	[tilespmem:$0x1FC00] =	vst v63  }
0x1d: {  	_ =	swait.ge [sflag:s12], $0x3500  }
0x1e: {  	[sflag:s12] =	ssyncset.done $0x0  }
0x1f: {  	[sflag:s12] =	ssyncadd.s32 $0xFFFFCB00  }
0x20: {  	[bflag:$0x0] =	sbarrier.arrive $0xFFFF  }
0x21: {  	[tilespmem:s17], [sflag:$0x1] =	stream.indirect.gather [hbm4b:s4+s16], $0x80, s3, s16, $0xb8;
	[tilespmem:$0x1FC00] =	vst v63  }
0x22: {  	_ = 	snop  }
0x23: {  	[tilespmem:s18], [sflag:$0x2] =	stream.indirect.gather [hbm4b:s4+s16], $0x80, s16, s16, $0xb8;
	[tilespmem:$0x1FC00] =	vst v63  }
0x24: {  	_ =	swait.ge [sflag:s19], $0x3000  }
0x25: {  	[sflag:s19] =	ssyncset.done $0x0  }
0x26: {  	s24 =	simm.s32 $0x2800;
	[sflag:s19] =	ssyncadd.s32 $0xFFFFD000  }
0x27: {  	[spmem:s2] =	stream.indirect.scatter.add.f32 [tilespmem:s17], [sflag:$0x3], $0x80, s24, s16, $0xb8;
	[tilespmem:$0x1FC00] =	vst v63  }
0x28: {  	_ =	swait.ge [sflag:s12], $0x3000  }
0x29: {  	[sflag:s12] =	ssyncset.done $0x0  }
0x2a: {  	s30 =	simm.s32 $0xC0;
	[sflag:s12] =	ssyncadd.s32 $0xFFFFD000  }
0x2b: {  	[tilespmem:s17], [sflag:$0x1] =	stream.indirect.gather [hbm4b:s4+s16], $0x80, s30, s16, $0xb8;
	[tilespmem:$0x1FC00] =	vst v63  }
0x2c: {  	_ =	swait.ge [sflag:s20], $0x3000  }
0x2d: {  	[sflag:s20] =	ssyncset.done $0x0  }
0x2e: {  	s31 =	simm.s32 $0x2880;
	[sflag:s20] =	ssyncadd.s32 $0xFFFFD000  }
0x2f: {  	[spmem:s2] =	stream.indirect.scatter.add.f32 [tilespmem:s18], [sflag:$0x3], $0x80, s31, s16, $0xb8;
	[tilespmem:$0x1FC00] =	vst v63  }
0x30: {  	_ =	swait.ge [sflag:s12], $0x3000  }
0x31: {  	s25 =	simm.s32 $0x400;
	[sflag:s12] =	ssyncset.done $0x0  }
0x32: {  	s26 =	simm.s32 $0x1E0;
	s24 =	simm.s32 $0x120;
	[sflag:s12] =	ssyncadd.s32 $0xFFFFD000  }
.LBB2_2:
0x33: {  	[tilespmem:s18], [sflag:$0x2] =	stream.indirect.gather [hbm4b:s4+s16], $0x80, s24, s16, $0xb8;
	[tilespmem:$0x1FC00] =	vst v63  }
0x34: {  	s28 =	smov.u32 s25;
	s24 =	smov.u32 s26  }
0x35: {  	p0 =	sne.s32 s25, $0xCC00;
	s25 =	sadd.s32 $0x400, s25;
	_ =	swait.ge [sflag:s19], $0x3000  }
0x36: {  	s28 =	sshra.s32 s28, $0x2;
	[sflag:s19] =	ssyncset.done $0x0  }
0x37: {  	s29 =	sadd.s32 $0x2800, s28;
	[sflag:s19] =	ssyncadd.s32 $0xFFFFD000  }
0x38: {  	[spmem:s2] =	stream.indirect.scatter.add.f32 [tilespmem:s17], [sflag:$0x3], $0x80, s29, s16, $0xb8;
	[tilespmem:$0x1FC00] =	vst v63  }
0x39: {  	_ =	swait.ge [sflag:s12], $0x3000  }
0x3a: {  	[sflag:s12] =	ssyncset.done $0x0  }
0x3b: {  	s29 =	sadd.s32 $0xFFFFFFA0, s26;
	[sflag:s12] =	ssyncadd.s32 $0xFFFFD000  }
0x3c: {  	[tilespmem:s17], [sflag:$0x1] =	stream.indirect.gather [hbm4b:s4+s16], $0x80, s29, s16, $0xb8;
	[tilespmem:$0x1FC00] =	vst v63  }
0x3d: {  	_ =	swait.ge [sflag:s20], $0x3000  }
0x3e: {  	[sflag:s20] =	ssyncset.done $0x0  }
.Ltmp0:
0x3f: {  	s28 =	sadd.s32 $0x2880, s28;
	[sflag:s20] =	ssyncadd.s32 $0xFFFFD000;
	(pc) =	sbr.rel @p0 .LBB2_2-.Ltmp0, $4  }
0x40: {  	[spmem:s2] =	stream.indirect.scatter.add.f32 [tilespmem:s18], [sflag:$0x3], $0x80, s28, s16, $0xb8;
	[tilespmem:$0x1FC00] =	vst v63  }
0x41: {  	_ =	swait.ge [sflag:s12], $0x3000  }
0x42: {  	[sflag:s12] =	ssyncset.done $0x0  }
0x43: {  	s26 =	sadd.s32 $0xC0, s26;
	[sflag:s12] =	ssyncadd.s32 $0xFFFFD000  }
0x44: {  	[tilespmem:s18], [sflag:$0x2] =	stream.indirect.gather [hbm4b:s4+s16], $0x80, s24, s16, $0xb8;
	[tilespmem:$0x1FC00] =	vst v63  }
0x45: {  	_ =	swait.ge [sflag:s19], $0x3000  }
0x46: {  	[sflag:s19] =	ssyncset.done $0x0  }
0x47: {  	[sflag:s19] =	ssyncadd.s32 $0xFFFFD000  }
0x48: {  	[spmem:s2] =	stream.indirect.scatter.add.f32 [tilespmem:s17], [sflag:$0x3], $0x80, s21, s16, $0xb8;
	[tilespmem:$0x1FC00] =	vst v63  }
0x49: {  	_ =	swait.ge [sflag:s12], $0x3000  }
0x4a: {  	[sflag:s12] =	ssyncset.done $0x0  }
0x4b: {  	[sflag:s12] =	ssyncadd.s32 $0xFFFFD000  }
0x4c: {  	_ =	swait.ge [sflag:s20], $0x3000  }
0x4d: {  	[sflag:s20] =	ssyncset.done $0x0  }
0x4e: {  	[sflag:s20] =	ssyncadd.s32 $0xFFFFD000  }
0x4f: {  	[spmem:s2] =	stream.indirect.scatter.add.f32 [tilespmem:s18], [sflag:$0x3], $0x80, s22, s16, $0xb8;
	[tilespmem:$0x1FC00] =	vst v63  }
0x50: {  	_ =	swait.ge [sflag:s12], $0x3000  }
0x51: {  	s23 =	sadd.s32 $0x1, s23;
	[sflag:s12] =	ssyncset.done $0x0  }
0x52: {  	p0 =	sne.s32 s23, s10;
	[sflag:s12] =	ssyncadd.s32 $0xFFFFD000  }
.Ltmp1:
0x53: {  	[bflag:$0x0] =	sbarrier.arrive $0xFFFF;
	(pc) =	sbr.rel @p0 .LBB2_1-.Ltmp1, $4  }
0x54: {  	[hbm:s9], [sflag:s6] =	dma.local [spmem:s11], $0x2780  }
0x55: {  	_ =	swait.ge [sflag:s12], $0x2780  }
0x56: {  	[sflag:s12] =	ssyncset.done $0x0  }
0x57: {  	[sflag:s12] =	ssyncadd.s32 $0xFFFFD880  }
0x58: {  	_ =	sfence.sel $0x180000  }
0x59: {  	[bflag:$0x0] =	sbarrier.arrive $0xFFFF  }
0x5a: {  	p0 =	sne.s32 s0, $0x0;
	_ =	strace $0x9000004A  }
0x5b: {  	s0 =	sadd.s32 @!p0 $0x100000, s1;
	[bflag:$0x2] =	sbarrier.arrive $0xFFFF  }
0x5c: {  	[sflag:s0] =	ssyncadd.tile.s32 @!p0 $0x1;
	_ =	shalt  }
.Lfunc_end2:
_tile_overlayer_lowered:
.L_overlay_start_2:
0x5d: {  	(tag) =	ssettag $0x2  }
0x5e: {  	s0 =	rddreg [dreg:$0x0];
	s2 =	stileid.u32  }
0x5f: {  	s1 =	rddreg [dreg:$0x1];
	p0 =	sne.s32 s2, $0x0  }
0x60: {  	s3 =	rddreg [dreg:$0x2];
	[bflag:$0x3] =	sbarrier.arrive $0xFFFF;
	s2 =	simm.s32 @!p0 $0x1C03  }
0x61: {  	[timem:s3], [sflag:s2] =	dma.local @!p0 [hbm:s0], s1  }
0x62: {  	s0 =	simm.s32 @!p0 $0x3  }
0x63: {  	_ =	swait.ge @!p0 [sflag:s0], s1  }
0x64: {  	s1 =	ssub.s32 @!p0 $0x0, s1;
	[sflag:s0] =	ssyncset.done @!p0 $0x0  }
0x65: {  	[sflag:s0] =	ssyncadd.s32 @!p0 s1  }
0x66: {  	[bflag:$0x3] =	sbarrier.arrive $0xFFFF  }
0x67: {  	_ =	shalt  }

// kernel: kernel.15.cloned.1.call-start
scs
__scs_entry_jumppad:
0x0: {  	(pc) =	sbr.rel $0x88, $3  }
0x1: {  	(tag) =	ssettag $0x0;
	lr =	simm.s32 $0x1  }
0x2: {  	[smem:$0x3F91] =	sst lr;
	_ =	strace $0xD0000000  }
0x3: {  	_ = 	snop  }
0x4: {  	_ = 	snop  }
0x5: {  	_ = 	snop  }
0x6: {  	_ = 	snop  }
0x7: {  	_ = 	snop  }
__scs_overlays_trampoline_lowered:
0x8: {  	[smem:$0x3FA0] =	sst s0  }
0x9: {  	[smem:$0x3FA1] =	sst s1  }
0xa: {  	[smem:$0x3FA2] =	sst s2  }
0xb: {  	[smem:$0x3FA3] =	sst s3  }
0xc: {  	[smem:$0x3FA4] =	sst s4  }
0xd: {  	[smem:$0x3FA5] =	sst s5  }
0xe: {  	[smem:$0x3FA6] =	sst s6  }
0xf: {  	[smem:$0x3FA7] =	sst s7  }
0x10: {  	[smem:$0x3FA8] =	sst s8  }
0x11: {  	[smem:$0x3FA9] =	sst s9;
	s0 =	simm.s32 @!p0 $0x0  }
0x12: {  	s1 =	sld [smem:$0x3F8F];
	s0 =	simm.s32 @p0 $0x1  }
0x13: {  	[smem:$0x3FAA] =	sst s0;
	s0 =	simm.s32 @!p1 $0x0  }
0x14: {  	s2 =	sld [smem:$0x3F8E];
	s0 =	simm.s32 @p1 $0x1  }
0x15: {  	[smem:$0x3FAB] =	sst s0;
	s0 =	simm.s32 @!p2 $0x0  }
0x16: {  	s3 =	sld [smem:$0x3FDB];
	s0 =	simm.s32 @p2 $0x1  }
0x17: {  	s4 =	simm.s32 $0x1BF5;
	[smem:$0x3FAD] =	sst s0  }
0x18: {  	s0 =	sld [smem:$0x3F90];
	_ =	swait.ge [sflag:s4], $0x0  }
0x19: {  	s7 =	sld [smem:$0x3F91]  }
0x1a: {  	s8 =	sadd.s32 $0xFFFFE003, lr  }
0x1b: {  	s9 =	sadd.s32 $0xFFFFFEF7, lr;
	s5 =	simm.s32 $0xFFFFFFFF;
	p2 =	slt.u32 s8, $0xFFFFF086  }
0x1c: {  	p1 =	slt.u32 s9, $0xF7A;
	s5 =	simm.s32 @!p2 $0x0  }
0x1d: {  	s5 =	simm.s32 @p1 $0x1;
	p0 =	seq.s32 s7, s2  }
0x1e: {  	s7 =	smul.u32 @!p0 $0xF7A, s2;
	p2 =	seq.s32 @!p0 s5, $0x0  }
0x1f: {  	s9 =	smul.u32 $0xF7A, s1;
	s8 =	simm.s32 @!p0 $0x1BF5;
	p2 =	por !p2, p0  }
0x20: {  	[sflag:s8] =	ssyncset.s32 @!p0 $0xFFFFF086;
	s6 =	sadd.s32 @!p0 s3, s7;
	s7 =	simm.s32 @!p0 $0x108  }
0x21: {  	s3 =	sadd.s32 s3, s9;
	s6 =	sadd.s32 @!p0 $0x88, s6;
	s7 =	simm.s32 @p2 $0x1082  }
0x22: {  	[simem:s7], [sflag:s8] =	dma.local @!p0 [hbm:s6], $0xF7A  }
0x23: {  	s9 =	sor.u32 $0xD0000000, s2;
	s6 =	simm.s32 $0x108;
	_ =	swait.ge @!p0 [sflag:s8], $0x0  }
0x24: {  	s3 =	sadd.s32 $0x88, s3;
	s6 =	simm.s32 @!p1 $0x1082;
	[sflag:s4] =	ssyncset.s32 $0xFFFFF086  }
0x25: {  	[simem:s6], [sflag:s4] =	dma.local [hbm:s3], $0xF7A  }
0x26: {  	[smem:$0x3F91] =	sst s1;
	(tag) =	ssettag s2;
	_ =	strace s9  }
0x27: {  	s1 =	sld [smem:$0x3FA1]  }
0x28: {  	s2 =	sld [smem:$0x3FA2]  }
0x29: {  	s4 =	sld [smem:$0x3FA4]  }
0x2a: {  	p0 =	seq.s32 s5, $0x0;
	s5 =	sld [smem:$0x3FA5]  }
0x2b: {  	s6 =	sld [smem:$0x3FA6]  }
0x2c: {  	s7 =	sld [smem:$0x3FA7]  }
0x2d: {  	s3 =	simm.s32 $0x108;
	s8 =	sld [smem:$0x3FA8]  }
0x2e: {  	s3 =	simm.s32 @!p0 $0x1082;
	s9 =	sld [smem:$0x3FA9]  }
0x2f: {  	lr =	sadd.s32 s0, s3;
	s0 =	sld [smem:$0x3FA0]  }
0x30: {  	s3 =	sld [smem:$0x3FA3]  }
0x31: {  	[smem:$0x3FAC] =	sst s10  }
0x32: {  	s10 =	sld [smem:$0x3FAA];
	_ =	sdelay $0x3  }
0x33: {  	p0 =	seq.s32 s10, $0x1;
	s10 =	sld [smem:$0x3FAC];
	_ =	sdelay $0x3  }
0x34: {  	[smem:$0x3FAC] =	sst s10  }
0x35: {  	s10 =	sld [smem:$0x3FAB];
	_ =	sdelay $0x3  }
0x36: {  	p1 =	seq.s32 s10, $0x1;
	s10 =	sld [smem:$0x3FAC];
	_ =	sdelay $0x3  }
0x37: {  	[smem:$0x3FAC] =	sst s10  }
0x38: {  	s10 =	sld [smem:$0x3FAD]  }
0x39: {  	_ = 	snop;
	(pc) =	sbr.ind lr, $3  }
0x3a: {  	_ = 	snop  }
0x3b: {  	_ = 	snop  }
0x3c: {  	p2 =	seq.s32 s10, $0x1;
	s10 =	sld [smem:$0x3FAC]  }
0x3d: {  	_ =	shalt  }
0x3e: {  	_ =	shalt  }
0x3f: {  	_ =	shalt  }
0x40: {  	_ =	shalt  }
0x41: {  	_ =	shalt  }
0x42: {  	_ =	shalt  }
0x43: {  	_ =	shalt  }
0x44: {  	_ =	shalt  }
0x45: {  	_ =	shalt  }
0x46: {  	_ =	shalt  }
0x47: {  	_ =	shalt  }
0x48: {  	_ =	shalt  }
0x49: {  	_ =	shalt  }
0x4a: {  	_ =	shalt  }
0x4b: {  	_ =	shalt  }
0x4c: {  	_ =	shalt  }
0x4d: {  	_ =	shalt  }
0x4e: {  	_ =	shalt  }
0x4f: {  	_ =	shalt  }
0x50: {  	_ =	shalt  }
0x51: {  	_ =	shalt  }
0x52: {  	_ =	shalt  }
0x53: {  	_ =	shalt  }
0x54: {  	_ =	shalt  }
0x55: {  	_ =	shalt  }
0x56: {  	_ =	shalt  }
0x57: {  	_ =	shalt  }
0x58: {  	_ =	shalt  }
0x59: {  	_ =	shalt  }
0x5a: {  	_ =	shalt  }
0x5b: {  	_ =	shalt  }
0x5c: {  	_ =	shalt  }
0x5d: {  	_ =	shalt  }
0x5e: {  	_ =	shalt  }
0x5f: {  	_ =	shalt  }
0x60: {  	_ =	shalt  }
0x61: {  	_ =	shalt  }
0x62: {  	_ =	shalt  }
0x63: {  	_ =	shalt  }
0x64: {  	_ =	shalt  }
0x65: {  	_ =	shalt  }
0x66: {  	_ =	shalt  }
0x67: {  	_ =	shalt  }
0x68: {  	_ =	shalt  }
0x69: {  	_ =	shalt  }
0x6a: {  	_ =	shalt  }
0x6b: {  	_ =	shalt  }
0x6c: {  	_ =	shalt  }
0x6d: {  	_ =	shalt  }
0x6e: {  	_ =	shalt  }
0x6f: {  	_ =	shalt  }
0x70: {  	_ =	shalt  }
0x71: {  	_ =	shalt  }
0x72: {  	_ =	shalt  }
0x73: {  	_ =	shalt  }
0x74: {  	_ =	shalt  }
0x75: {  	_ =	shalt  }
0x76: {  	_ =	shalt  }
0x77: {  	_ =	shalt  }
0x78: {  	_ =	shalt  }
0x79: {  	_ =	shalt  }
0x7a: {  	_ =	shalt  }
0x7b: {  	_ =	shalt  }
0x7c: {  	_ =	shalt  }
0x7d: {  	_ =	shalt  }
0x7e: {  	_ =	shalt  }
0x7f: {  	_ =	shalt  }
0x80: {  	_ =	shalt  }
0x81: {  	_ =	shalt  }
0x82: {  	_ =	shalt  }
0x83: {  	_ =	shalt  }
0x84: {  	_ =	shalt  }
0x85: {  	_ =	shalt  }
0x86: {  	_ =	shalt  }
0x87: {  	_ =	shalt  }
.Lfunc_end0:
.L_simem_size_0:
called_computation.2_lowered:
.L_overlay_start_0:
0x88: {  	s2 =	sld [smem:$0x3FD9]  }
0x89: {  	s3 =	sld [smem:$0x3FFE];
	_ =	sdelay $0x1  }
0x8a: {  	s1 =	srdreg.scid  }
0x8b: {  	s0 =	sand.u32 $0x1, s1  }
0x8c: {  	s16 =	sshll.u32 s0, $0xA;
	s2 =	sadd.s32 s3, s2  }
0x8d: {  	s2 =	sadd.s32 s2, s16  }
0x8e: {  	[smem:$0x3FB8] =	sst s2  }
0x8f: {  	_ = 	snop  }
0x90: {  	(tm) =	ssettm $0x1  }
0x91: {  	s17 =	sld [smem:$0x3FFB];
	_ =	sdelay $0x3  }
0x92: {  	_ =	strace s17  }
0x93: {  	s2 =	sld [smem:$0x3FFC];
	_ =	sdelay $0x3  }
0x94: {  	_ =	strace s2  }
0x95: {  	s2 =	sld [smem:$0x3FFD];
	_ =	sdelay $0x3  }
0x96: {  	_ =	strace s2  }
0x97: {  	_ =	strace $0x8FFFFFFF  }
0x98: {  	s18 =	sld [smem:$0x3FDB];
	_ =	sdelay $0x1  }
0x99: {  	s19 =	simm.s32 $_scs_section_size  }
0x9a: {  	s4 =	simm.s32 $_size__tile_overlayer_lowered;
	s5 =	simm.s32 $_tile_overlayer_lowered  }
0x9b: {  	s22 =	simm.s32 $0x1BFF;
	s21 =	sshll.u32 s5, $0x1;
	s2 =	sadd.s32 s19, s18  }
0x9c: {  	s6 =	simm.s32 $0x0;
	s20 =	sshll.u32 s4, $0x1;
	s4 =	sadd.s32 s21, s2  }
0x9d: {  	[timem:s6], [sflag:s22] =	dma.local [hbm:s4], s20  }
0x9e: {  	_ =	swait.ge [sflag:s22], s20  }
0x9f: {  	s3 =	ssub.s32 $0x0, s20;
	[sflag:s22] =	ssyncset.done $0x0  }
0xa0: {  	[sflag:s22] =	ssyncadd.s32 s3;
	_ =	sdelay $0x1  }
0xa1: {  	s23 =	simm.s32 $0x1B8B  }
0xa2: {  	_ =	swait.ge [sflag:s23], $0x1  }
0xa3: {  	[sflag:s23] =	ssyncset.done $0x0  }
0xa4: {  	s25 =	simm.s32 $0x1B8E;
	s24 =	sld [smem:$0x3FFE];
	[sflag:s23] =	ssyncadd.s32 $0xFFFFFFFF  }
0xa5: {  	s26 =	simm.s32 $execute0_lowered;
	[smem:$0x3FD2] =	sst s25  }
0xa6: {  	s4 =	sshll.u32 s26, $0x1;
	_ =	strace $0x8000004C;
	[dreg:$0x1] =	wrdreg $0xFFFFFFFF  }
0xa7: {  	s28 =	simm.s32 $_size_execute0_lowered;
	s2 =	sadd.s32 s2, s4;
	[dreg:$0x0] =	wrdreg $0x0  }
0xa8: {  	s4 =	sshll.u32 s28, $0x1;
	[dreg:$0x2] =	wrdreg s2  }
0xa9: {  	[dreg:$0x3] =	wrdreg s4  }
0xaa: {  	[dreg:$0x4] =	wrdreg $0xC0  }
0xab: {  	_ =	task [dreg:s6], $0x5FFFF  }
0xac: {  	[dreg:$0x1] =	wrdreg $0xFFFFFFFF  }
0xad: {  	[dreg:$0x0] =	wrdreg $0x60  }
0xae: {  	[dreg:$0x2] =	wrdreg s24  }
0xaf: {  	[dreg:$0x3] =	wrdreg $0xC0000  }
0xb0: {  	[dreg:$0x4] =	wrdreg $0x9  }
0xb1: {  	_ =	task.clear_ibuf [dreg:s6], $0x5FFFF;
	_ =	strace $0x9000004C  }
0xb2: {  	s29 =	simm.s32 $0x9;
	_ =	strace $0x8000004E  }
0xb3: {  	_ =	swait.ge [sflag:s29], $0x1  }
0xb4: {  	[sflag:s29] =	ssyncadd.s32 $0xFFFFFFFF  }
0xb5: {  	_ =	strace $0x9000004E  }
0xb6: {  	_ =	sfence  }
0xb7: {  	s30 =	sld [smem:$0x0];
	_ =	sdelay $0x2  }
0xb8: {  	s31 =	sshll.u32 s1, $0xD;
	s1 =	sshrl.u32 s1, $0x2  }
0xb9: {  	s3 =	sand.u32 $0x4000, s31;
	s1 =	sadd.s32 s1, s30  }
0xba: {  	s0 =	sor.u32 s3, s0;
	s1 =	sshll.u32 s1, $0x11  }
0xbb: {  	s0 =	sor.u32 s1, s0  }
0xbc: {  	s0 =	sadd.s32 $0x8F2B, s0  }
0xbd: {  	[sflag:s0] =	ssyncadd.remote.s32 $0x1  }
0xbe: {  	_ =	sfence.sel $0xFFFF  }
0xbf: {  	[dreg:$0x0] =	wrdreg $0xFFFFFFFF;
	(pc) =	sbr.abs _section_cstart, $3  }
0xc0: {  	[dreg:$0x1] =	wrdreg $0xFFFFFFFF  }
0xc1: {  	_ =	task.clear_ibuf [dreg:s6], $0x2FFFF;
	_ =	strace $0x9FFFFFFF  }
0xc2: {  	(tm) =	ssettm $0x7FFFFFFF  }
0xc3: {  	_ =	shalt  }
tec
execute0_lowered:
.L_overlay_start_1:
0x0: {  	(tag) =	ssettag $0x1  }
0x1: {  	s6 =	rddreg [dreg:$0x0]  }
0x2: {  	s0 =	srdreg.scid;
	s2 =	rddreg [dreg:$0x1]  }
0x3: {  	s3 =	simm.s32 $0x0;
	s15 =	simm.s32 $0x2800;
	s16 =	simm.s32 $0x60  }
0x4: {  	s17 =	simm.s32 $0x6000;
	s18 =	simm.s32 $0x9000;
	s19 =	simm.s32 $0x1  }
0x5: {  	s20 =	simm.s32 $0x2;
	s21 =	simm.s32 $0x5C00;
	s22 =	simm.s32 $0x5C80  }
0x6: {  	s23 =	simm.s32 $0x0;
	s5 =	sand.u32 $0x1, s0;
	s0 =	stileid.u32  }
0x7: {  	[smem:$0x7FF] =	sst s3;
	s1 =	sshll.u32 s5, $0x4;
	s28 =	smul.u32 $0x13C00, s0  }
0x8: {  	s8 =	sshll.u32 s0, $0x7;
	s10 =	smul.u32 $0x13C000, s5;
	s5 =	ssub.s32 $0x2, s5  }
0x9: {  	s29 =	smul.u32 $0x4F000, s0;
	s31 =	sshll.u32 s0, $0x6;
	s4 =	sor.u32 s0, s1  }
0xa: {  	s1 =	rddreg [dreg:$0x2];
	s8 =	sand.u32 $0x380, s8;
	_ =	strace $0x8000004D  }
0xb: {  	s12 =	sshrl.u32 s5, $0x1;
	s7 =	sshrl.u32 s4, $0x3;
	s9 =	smul.u32 $0x700, s4  }
0xc: {  	s4 =	sadd.s32 $0x1AC00, s6;
	s11 =	sshrl.u32 s28, $0x3;
	s12 =	ssub.s32 s5, s12  }
0xd: {  	s30 =	sshrl.u32 s29, $0x2;
	s7 =	smul.u32 $0x14000, s7;
	s11 =	sadd.s32 s11, s6  }
0xe: {  	s14 =	sadd.s32 s30, s2;
	s9 =	sadd.s32 s9, s6;
	s5 =	sadd.s32 $0x42400, s11  }
0xf: {  	s11 =	sshrl.u32 s14, $0x3;
	s14 =	simm.s32 $0x400;
	s7 =	sor.u32 s8, s7  }
0x10: {  	s8 =	sadd.s32 s28, s10;
	s10 =	smax.u32 s12, $0x1;
	s7 =	sshrl.u32 s7, $0x3  }
0x11: {  	s12 =	simm.s32 $0x3;
	s8 =	sshrl.u32 s8, $0x3;
	s7 =	sadd.s32 s7, s6  }
0x12: {  	s13 =	sadd.s32 s8, s6;
	s6 =	sor.u32 $0x1C03, s31;
	s8 =	sadd.s32 $0x2C00, s9  }
0x13: {  	s7 =	sadd.s32 $0x10C00, s7;
	s9 =	sadd.s32 $0x69C00, s13;
	s13 =	simm.s32 $0x80  }
.LBB2_1:
0x14: {  	[spmem:s11], [sflag:s6] =	dma.local [hbm:s5], $0x2780  }
0x15: {  	_ =	swait.ge [sflag:s12], $0x2780  }
0x16: {  	[sflag:s12] =	ssyncset.done $0x0  }
0x17: {  	[sflag:s12] =	ssyncadd.s32 $0xFFFFD880  }
0x18: {  	[tilespmem:s3], [sflag:$0x3] =	stream.strided.gather [hbm4b:s7+s13], $0x2800, s14, s13, $0x38;
	[tilespmem:$0x1FC00] =	vst v63  }
0x19: {  	_ =	swait.ge [sflag:s12], $0x2800  }
0x1a: {  	[sflag:s12] =	ssyncset.done $0x0  }
0x1b: {  	[sflag:s12] =	ssyncadd.s32 $0xFFFFD800  }
0x1c: {  	[tilespmem:s15], [sflag:$0x3] =	stream.linear.gather [hbm4b:s8+s3], $0x3500, $0x38;
	[tilespmem:$0x1FC00] =	vst v63  }
0x1d: {  	_ =	swait.ge [sflag:s12], $0x3500  }
0x1e: {  	[sflag:s12] =	ssyncset.done $0x0  }
0x1f: {  	[sflag:s12] =	ssyncadd.s32 $0xFFFFCB00  }
0x20: {  	[bflag:$0x0] =	sbarrier.arrive $0xFFFF  }
0x21: {  	[tilespmem:s17], [sflag:$0x1] =	stream.indirect.gather [hbm4b:s4+s16], $0x80, s3, s16, $0xb8;
	[tilespmem:$0x1FC00] =	vst v63  }
0x22: {  	_ = 	snop  }
0x23: {  	[tilespmem:s18], [sflag:$0x2] =	stream.indirect.gather [hbm4b:s4+s16], $0x80, s16, s16, $0xb8;
	[tilespmem:$0x1FC00] =	vst v63  }
0x24: {  	_ =	swait.ge [sflag:s19], $0x3000  }
0x25: {  	[sflag:s19] =	ssyncset.done $0x0  }
0x26: {  	s24 =	simm.s32 $0x2800;
	[sflag:s19] =	ssyncadd.s32 $0xFFFFD000  }
0x27: {  	[spmem:s2] =	stream.indirect.scatter.add.f32 [tilespmem:s17], [sflag:$0x3], $0x80, s24, s16, $0xb8;
	[tilespmem:$0x1FC00] =	vst v63  }
0x28: {  	_ =	swait.ge [sflag:s12], $0x3000  }
0x29: {  	[sflag:s12] =	ssyncset.done $0x0  }
0x2a: {  	s30 =	simm.s32 $0xC0;
	[sflag:s12] =	ssyncadd.s32 $0xFFFFD000  }
0x2b: {  	[tilespmem:s17], [sflag:$0x1] =	stream.indirect.gather [hbm4b:s4+s16], $0x80, s30, s16, $0xb8;
	[tilespmem:$0x1FC00] =	vst v63  }
0x2c: {  	_ =	swait.ge [sflag:s20], $0x3000  }
0x2d: {  	[sflag:s20] =	ssyncset.done $0x0  }
0x2e: {  	s31 =	simm.s32 $0x2880;
	[sflag:s20] =	ssyncadd.s32 $0xFFFFD000  }
0x2f: {  	[spmem:s2] =	stream.indirect.scatter.add.f32 [tilespmem:s18], [sflag:$0x3], $0x80, s31, s16, $0xb8;
	[tilespmem:$0x1FC00] =	vst v63  }
0x30: {  	_ =	swait.ge [sflag:s12], $0x3000  }
0x31: {  	s25 =	simm.s32 $0x400;
	[sflag:s12] =	ssyncset.done $0x0  }
0x32: {  	s26 =	simm.s32 $0x1E0;
	s24 =	simm.s32 $0x120;
	[sflag:s12] =	ssyncadd.s32 $0xFFFFD000  }
.LBB2_2:
0x33: {  	[tilespmem:s18], [sflag:$0x2] =	stream.indirect.gather [hbm4b:s4+s16], $0x80, s24, s16, $0xb8;
	[tilespmem:$0x1FC00] =	vst v63  }
0x34: {  	s28 =	smov.u32 s25;
	s24 =	smov.u32 s26  }
0x35: {  	p0 =	sne.s32 s25, $0xCC00;
	s25 =	sadd.s32 $0x400, s25;
	_ =	swait.ge [sflag:s19], $0x3000  }
0x36: {  	s28 =	sshra.s32 s28, $0x2;
	[sflag:s19] =	ssyncset.done $0x0  }
0x37: {  	s29 =	sadd.s32 $0x2800, s28;
	[sflag:s19] =	ssyncadd.s32 $0xFFFFD000  }
0x38: {  	[spmem:s2] =	stream.indirect.scatter.add.f32 [tilespmem:s17], [sflag:$0x3], $0x80, s29, s16, $0xb8;
	[tilespmem:$0x1FC00] =	vst v63  }
0x39: {  	_ =	swait.ge [sflag:s12], $0x3000  }
0x3a: {  	[sflag:s12] =	ssyncset.done $0x0  }
0x3b: {  	s29 =	sadd.s32 $0xFFFFFFA0, s26;
	[sflag:s12] =	ssyncadd.s32 $0xFFFFD000  }
0x3c: {  	[tilespmem:s17], [sflag:$0x1] =	stream.indirect.gather [hbm4b:s4+s16], $0x80, s29, s16, $0xb8;
	[tilespmem:$0x1FC00] =	vst v63  }
0x3d: {  	_ =	swait.ge [sflag:s20], $0x3000  }
0x3e: {  	[sflag:s20] =	ssyncset.done $0x0  }
.Ltmp0:
0x3f: {  	s28 =	sadd.s32 $0x2880, s28;
	[sflag:s20] =	ssyncadd.s32 $0xFFFFD000;
	(pc) =	sbr.rel @p0 .LBB2_2-.Ltmp0, $4  }
0x40: {  	[spmem:s2] =	stream.indirect.scatter.add.f32 [tilespmem:s18], [sflag:$0x3], $0x80, s28, s16, $0xb8;
	[tilespmem:$0x1FC00] =	vst v63  }
0x41: {  	_ =	swait.ge [sflag:s12], $0x3000  }
0x42: {  	[sflag:s12] =	ssyncset.done $0x0  }
0x43: {  	s26 =	sadd.s32 $0xC0, s26;
	[sflag:s12] =	ssyncadd.s32 $0xFFFFD000  }
0x44: {  	[tilespmem:s18], [sflag:$0x2] =	stream.indirect.gather [hbm4b:s4+s16], $0x80, s24, s16, $0xb8;
	[tilespmem:$0x1FC00] =	vst v63  }
0x45: {  	_ =	swait.ge [sflag:s19], $0x3000  }
0x46: {  	[sflag:s19] =	ssyncset.done $0x0  }
0x47: {  	[sflag:s19] =	ssyncadd.s32 $0xFFFFD000  }
0x48: {  	[spmem:s2] =	stream.indirect.scatter.add.f32 [tilespmem:s17], [sflag:$0x3], $0x80, s21, s16, $0xb8;
	[tilespmem:$0x1FC00] =	vst v63  }
0x49: {  	_ =	swait.ge [sflag:s12], $0x3000  }
0x4a: {  	[sflag:s12] =	ssyncset.done $0x0  }
0x4b: {  	[sflag:s12] =	ssyncadd.s32 $0xFFFFD000  }
0x4c: {  	_ =	swait.ge [sflag:s20], $0x3000  }
0x4d: {  	[sflag:s20] =	ssyncset.done $0x0  }
0x4e: {  	[sflag:s20] =	ssyncadd.s32 $0xFFFFD000  }
0x4f: {  	[spmem:s2] =	stream.indirect.scatter.add.f32 [tilespmem:s18], [sflag:$0x3], $0x80, s22, s16, $0xb8;
	[tilespmem:$0x1FC00] =	vst v63  }
0x50: {  	_ =	swait.ge [sflag:s12], $0x3000  }
0x51: {  	s23 =	sadd.s32 $0x1, s23;
	[sflag:s12] =	ssyncset.done $0x0  }
0x52: {  	p0 =	sne.s32 s23, s10;
	[sflag:s12] =	ssyncadd.s32 $0xFFFFD000  }
.Ltmp1:
0x53: {  	[bflag:$0x0] =	sbarrier.arrive $0xFFFF;
	(pc) =	sbr.rel @p0 .LBB2_1-.Ltmp1, $4  }
0x54: {  	[hbm:s9], [sflag:s6] =	dma.local [spmem:s11], $0x2780  }
0x55: {  	_ =	swait.ge [sflag:s12], $0x2780  }
0x56: {  	[sflag:s12] =	ssyncset.done $0x0  }
0x57: {  	[sflag:s12] =	ssyncadd.s32 $0xFFFFD880  }
0x58: {  	_ =	sfence.sel $0x180000  }
0x59: {  	[bflag:$0x0] =	sbarrier.arrive $0xFFFF  }
0x5a: {  	p0 =	sne.s32 s0, $0x0;
	_ =	strace $0x9000004D  }
0x5b: {  	s0 =	sadd.s32 @!p0 $0x100000, s1;
	[bflag:$0x2] =	sbarrier.arrive $0xFFFF  }
0x5c: {  	[sflag:s0] =	ssyncadd.tile.s32 @!p0 $0x1;
	_ =	shalt  }
.Lfunc_end2:
_tile_overlayer_lowered:
.L_overlay_start_2:
0x5d: {  	(tag) =	ssettag $0x2  }
0x5e: {  	s0 =	rddreg [dreg:$0x0];
	s2 =	stileid.u32  }
0x5f: {  	s1 =	rddreg [dreg:$0x1];
	p0 =	sne.s32 s2, $0x0  }
0x60: {  	s3 =	rddreg [dreg:$0x2];
	[bflag:$0x3] =	sbarrier.arrive $0xFFFF;
	s2 =	simm.s32 @!p0 $0x1C03  }
0x61: {  	[timem:s3], [sflag:s2] =	dma.local @!p0 [hbm:s0], s1  }
0x62: {  	s0 =	simm.s32 @!p0 $0x3  }
0x63: {  	_ =	swait.ge @!p0 [sflag:s0], s1  }
0x64: {  	s1 =	ssub.s32 @!p0 $0x0, s1;
	[sflag:s0] =	ssyncset.done @!p0 $0x0  }
0x65: {  	[sflag:s0] =	ssyncadd.s32 @!p0 s1  }
0x66: {  	[bflag:$0x3] =	sbarrier.arrive $0xFFFF  }
0x67: {  	_ =	shalt  }

// kernel: kernel.9.cloned.1.call-start
scs
__scs_entry_jumppad:
0x0: {  	(pc) =	sbr.rel $0x88, $3  }
0x1: {  	(tag) =	ssettag $0x0;
	lr =	simm.s32 $0x1  }
0x2: {  	[smem:$0x3F91] =	sst lr;
	_ =	strace $0xD0000000  }
0x3: {  	_ = 	snop  }
0x4: {  	_ = 	snop  }
0x5: {  	_ = 	snop  }
0x6: {  	_ = 	snop  }
0x7: {  	_ = 	snop  }
__scs_overlays_trampoline_lowered:
0x8: {  	[smem:$0x3FA0] =	sst s0  }
0x9: {  	[smem:$0x3FA1] =	sst s1  }
0xa: {  	[smem:$0x3FA2] =	sst s2  }
0xb: {  	[smem:$0x3FA3] =	sst s3  }
0xc: {  	[smem:$0x3FA4] =	sst s4  }
0xd: {  	[smem:$0x3FA5] =	sst s5  }
0xe: {  	[smem:$0x3FA6] =	sst s6  }
0xf: {  	[smem:$0x3FA7] =	sst s7  }
0x10: {  	[smem:$0x3FA8] =	sst s8  }
0x11: {  	[smem:$0x3FA9] =	sst s9;
	s0 =	simm.s32 @!p0 $0x0  }
0x12: {  	s1 =	sld [smem:$0x3F8F];
	s0 =	simm.s32 @p0 $0x1  }
0x13: {  	[smem:$0x3FAA] =	sst s0;
	s0 =	simm.s32 @!p1 $0x0  }
0x14: {  	s2 =	sld [smem:$0x3F8E];
	s0 =	simm.s32 @p1 $0x1  }
0x15: {  	[smem:$0x3FAB] =	sst s0;
	s0 =	simm.s32 @!p2 $0x0  }
0x16: {  	s3 =	sld [smem:$0x3FDB];
	s0 =	simm.s32 @p2 $0x1  }
0x17: {  	s4 =	simm.s32 $0x1BF5;
	[smem:$0x3FAD] =	sst s0  }
0x18: {  	s0 =	sld [smem:$0x3F90];
	_ =	swait.ge [sflag:s4], $0x0  }
0x19: {  	s7 =	sld [smem:$0x3F91]  }
0x1a: {  	s8 =	sadd.s32 $0xFFFFE003, lr  }
0x1b: {  	s9 =	sadd.s32 $0xFFFFFEF7, lr;
	s5 =	simm.s32 $0xFFFFFFFF;
	p2 =	slt.u32 s8, $0xFFFFF086  }
0x1c: {  	p1 =	slt.u32 s9, $0xF7A;
	s5 =	simm.s32 @!p2 $0x0  }
0x1d: {  	s5 =	simm.s32 @p1 $0x1;
	p0 =	seq.s32 s7, s2  }
0x1e: {  	s7 =	smul.u32 @!p0 $0xF7A, s2;
	p2 =	seq.s32 @!p0 s5, $0x0  }
0x1f: {  	s9 =	smul.u32 $0xF7A, s1;
	s8 =	simm.s32 @!p0 $0x1BF5;
	p2 =	por !p2, p0  }
0x20: {  	[sflag:s8] =	ssyncset.s32 @!p0 $0xFFFFF086;
	s6 =	sadd.s32 @!p0 s3, s7;
	s7 =	simm.s32 @!p0 $0x108  }
0x21: {  	s3 =	sadd.s32 s3, s9;
	s6 =	sadd.s32 @!p0 $0x88, s6;
	s7 =	simm.s32 @p2 $0x1082  }
0x22: {  	[simem:s7], [sflag:s8] =	dma.local @!p0 [hbm:s6], $0xF7A  }
0x23: {  	s9 =	sor.u32 $0xD0000000, s2;
	s6 =	simm.s32 $0x108;
	_ =	swait.ge @!p0 [sflag:s8], $0x0  }
0x24: {  	s3 =	sadd.s32 $0x88, s3;
	s6 =	simm.s32 @!p1 $0x1082;
	[sflag:s4] =	ssyncset.s32 $0xFFFFF086  }
0x25: {  	[simem:s6], [sflag:s4] =	dma.local [hbm:s3], $0xF7A  }
0x26: {  	[smem:$0x3F91] =	sst s1;
	(tag) =	ssettag s2;
	_ =	strace s9  }
0x27: {  	s1 =	sld [smem:$0x3FA1]  }
0x28: {  	s2 =	sld [smem:$0x3FA2]  }
0x29: {  	s4 =	sld [smem:$0x3FA4]  }
0x2a: {  	p0 =	seq.s32 s5, $0x0;
	s5 =	sld [smem:$0x3FA5]  }
0x2b: {  	s6 =	sld [smem:$0x3FA6]  }
0x2c: {  	s7 =	sld [smem:$0x3FA7]  }
0x2d: {  	s3 =	simm.s32 $0x108;
	s8 =	sld [smem:$0x3FA8]  }
0x2e: {  	s3 =	simm.s32 @!p0 $0x1082;
	s9 =	sld [smem:$0x3FA9]  }
0x2f: {  	lr =	sadd.s32 s0, s3;
	s0 =	sld [smem:$0x3FA0]  }
0x30: {  	s3 =	sld [smem:$0x3FA3]  }
0x31: {  	[smem:$0x3FAC] =	sst s10  }
0x32: {  	s10 =	sld [smem:$0x3FAA];
	_ =	sdelay $0x3  }
0x33: {  	p0 =	seq.s32 s10, $0x1;
	s10 =	sld [smem:$0x3FAC];
	_ =	sdelay $0x3  }
0x34: {  	[smem:$0x3FAC] =	sst s10  }
0x35: {  	s10 =	sld [smem:$0x3FAB];
	_ =	sdelay $0x3  }
0x36: {  	p1 =	seq.s32 s10, $0x1;
	s10 =	sld [smem:$0x3FAC];
	_ =	sdelay $0x3  }
0x37: {  	[smem:$0x3FAC] =	sst s10  }
0x38: {  	s10 =	sld [smem:$0x3FAD]  }
0x39: {  	_ = 	snop;
	(pc) =	sbr.ind lr, $3  }
0x3a: {  	_ = 	snop  }
0x3b: {  	_ = 	snop  }
0x3c: {  	p2 =	seq.s32 s10, $0x1;
	s10 =	sld [smem:$0x3FAC]  }
0x3d: {  	_ =	shalt  }
0x3e: {  	_ =	shalt  }
0x3f: {  	_ =	shalt  }
0x40: {  	_ =	shalt  }
0x41: {  	_ =	shalt  }
0x42: {  	_ =	shalt  }
0x43: {  	_ =	shalt  }
0x44: {  	_ =	shalt  }
0x45: {  	_ =	shalt  }
0x46: {  	_ =	shalt  }
0x47: {  	_ =	shalt  }
0x48: {  	_ =	shalt  }
0x49: {  	_ =	shalt  }
0x4a: {  	_ =	shalt  }
0x4b: {  	_ =	shalt  }
0x4c: {  	_ =	shalt  }
0x4d: {  	_ =	shalt  }
0x4e: {  	_ =	shalt  }
0x4f: {  	_ =	shalt  }
0x50: {  	_ =	shalt  }
0x51: {  	_ =	shalt  }
0x52: {  	_ =	shalt  }
0x53: {  	_ =	shalt  }
0x54: {  	_ =	shalt  }
0x55: {  	_ =	shalt  }
0x56: {  	_ =	shalt  }
0x57: {  	_ =	shalt  }
0x58: {  	_ =	shalt  }
0x59: {  	_ =	shalt  }
0x5a: {  	_ =	shalt  }
0x5b: {  	_ =	shalt  }
0x5c: {  	_ =	shalt  }
0x5d: {  	_ =	shalt  }
0x5e: {  	_ =	shalt  }
0x5f: {  	_ =	shalt  }
0x60: {  	_ =	shalt  }
0x61: {  	_ =	shalt  }
0x62: {  	_ =	shalt  }
0x63: {  	_ =	shalt  }
0x64: {  	_ =	shalt  }
0x65: {  	_ =	shalt  }
0x66: {  	_ =	shalt  }
0x67: {  	_ =	shalt  }
0x68: {  	_ =	shalt  }
0x69: {  	_ =	shalt  }
0x6a: {  	_ =	shalt  }
0x6b: {  	_ =	shalt  }
0x6c: {  	_ =	shalt  }
0x6d: {  	_ =	shalt  }
0x6e: {  	_ =	shalt  }
0x6f: {  	_ =	shalt  }
0x70: {  	_ =	shalt  }
0x71: {  	_ =	shalt  }
0x72: {  	_ =	shalt  }
0x73: {  	_ =	shalt  }
0x74: {  	_ =	shalt  }
0x75: {  	_ =	shalt  }
0x76: {  	_ =	shalt  }
0x77: {  	_ =	shalt  }
0x78: {  	_ =	shalt  }
0x79: {  	_ =	shalt  }
0x7a: {  	_ =	shalt  }
0x7b: {  	_ =	shalt  }
0x7c: {  	_ =	shalt  }
0x7d: {  	_ =	shalt  }
0x7e: {  	_ =	shalt  }
0x7f: {  	_ =	shalt  }
0x80: {  	_ =	shalt  }
0x81: {  	_ =	shalt  }
0x82: {  	_ =	shalt  }
0x83: {  	_ =	shalt  }
0x84: {  	_ =	shalt  }
0x85: {  	_ =	shalt  }
0x86: {  	_ =	shalt  }
0x87: {  	_ =	shalt  }
.Lfunc_end0:
.L_simem_size_0:
called_computation_lowered:
.L_overlay_start_0:
0x88: {  	s2 =	sld [smem:$0x3FD9]  }
0x89: {  	s3 =	sld [smem:$0x3FFE];
	_ =	sdelay $0x1  }
0x8a: {  	s1 =	srdreg.scid  }
0x8b: {  	s0 =	sand.u32 $0x1, s1  }
0x8c: {  	s16 =	sshll.u32 s0, $0xA;
	s2 =	sadd.s32 s3, s2  }
0x8d: {  	s2 =	sadd.s32 s2, s16  }
0x8e: {  	[smem:$0x3FB8] =	sst s2  }
0x8f: {  	_ = 	snop  }
0x90: {  	(tm) =	ssettm $0x1  }
0x91: {  	s17 =	sld [smem:$0x3FFB];
	_ =	sdelay $0x3  }
0x92: {  	_ =	strace s17  }
0x93: {  	s2 =	sld [smem:$0x3FFC];
	_ =	sdelay $0x3  }
0x94: {  	_ =	strace s2  }
0x95: {  	s2 =	sld [smem:$0x3FFD];
	_ =	sdelay $0x3  }
0x96: {  	_ =	strace s2  }
0x97: {  	_ =	strace $0x8FFFFFFF  }
0x98: {  	s18 =	sld [smem:$0x3FDB];
	_ =	sdelay $0x1  }
0x99: {  	s19 =	simm.s32 $_scs_section_size  }
0x9a: {  	s4 =	simm.s32 $_size__tile_overlayer_lowered;
	s5 =	simm.s32 $_tile_overlayer_lowered  }
0x9b: {  	s22 =	simm.s32 $0x1BFF;
	s21 =	sshll.u32 s5, $0x1;
	s2 =	sadd.s32 s19, s18  }
0x9c: {  	s6 =	simm.s32 $0x0;
	s20 =	sshll.u32 s4, $0x1;
	s4 =	sadd.s32 s21, s2  }
0x9d: {  	[timem:s6], [sflag:s22] =	dma.local [hbm:s4], s20  }
0x9e: {  	_ =	swait.ge [sflag:s22], s20  }
0x9f: {  	s3 =	ssub.s32 $0x0, s20;
	[sflag:s22] =	ssyncset.done $0x0  }
0xa0: {  	[sflag:s22] =	ssyncadd.s32 s3;
	_ =	sdelay $0x1  }
0xa1: {  	s23 =	simm.s32 $0x1B8B  }
0xa2: {  	_ =	swait.ge [sflag:s23], $0x1  }
0xa3: {  	[sflag:s23] =	ssyncset.done $0x0  }
0xa4: {  	s25 =	simm.s32 $0x1B8E;
	s24 =	sld [smem:$0x3FFE];
	[sflag:s23] =	ssyncadd.s32 $0xFFFFFFFF  }
0xa5: {  	s26 =	simm.s32 $execute0_lowered;
	[smem:$0x3FD2] =	sst s25  }
0xa6: {  	s4 =	sshll.u32 s26, $0x1;
	_ =	strace $0x80000046;
	[dreg:$0x1] =	wrdreg $0xFFFFFFFF  }
0xa7: {  	s28 =	simm.s32 $_size_execute0_lowered;
	s2 =	sadd.s32 s2, s4;
	[dreg:$0x0] =	wrdreg $0x0  }
0xa8: {  	s4 =	sshll.u32 s28, $0x1;
	[dreg:$0x2] =	wrdreg s2  }
0xa9: {  	[dreg:$0x3] =	wrdreg s4  }
0xaa: {  	[dreg:$0x4] =	wrdreg $0xC0  }
0xab: {  	_ =	task [dreg:s6], $0x5FFFF  }
0xac: {  	[dreg:$0x1] =	wrdreg $0xFFFFFFFF  }
0xad: {  	[dreg:$0x0] =	wrdreg $0x60  }
0xae: {  	[dreg:$0x2] =	wrdreg s24  }
0xaf: {  	[dreg:$0x3] =	wrdreg $0xC0000  }
0xb0: {  	[dreg:$0x4] =	wrdreg $0x9  }
0xb1: {  	_ =	task.clear_ibuf [dreg:s6], $0x5FFFF;
	_ =	strace $0x90000046  }
0xb2: {  	s29 =	simm.s32 $0x9;
	_ =	strace $0x80000048  }
0xb3: {  	_ =	swait.ge [sflag:s29], $0x1  }
0xb4: {  	[sflag:s29] =	ssyncadd.s32 $0xFFFFFFFF  }
0xb5: {  	_ =	strace $0x90000048  }
0xb6: {  	_ =	sfence  }
0xb7: {  	s30 =	sld [smem:$0x0];
	_ =	sdelay $0x2  }
0xb8: {  	s31 =	sshll.u32 s1, $0xD;
	s1 =	sshrl.u32 s1, $0x2  }
0xb9: {  	s3 =	sand.u32 $0x4000, s31;
	s1 =	sadd.s32 s1, s30  }
0xba: {  	s0 =	sor.u32 s3, s0;
	s1 =	sshll.u32 s1, $0x11  }
0xbb: {  	s0 =	sor.u32 s1, s0  }
0xbc: {  	s0 =	sadd.s32 $0x8F2B, s0  }
0xbd: {  	[sflag:s0] =	ssyncadd.remote.s32 $0x1  }
0xbe: {  	_ =	sfence.sel $0xFFFF  }
0xbf: {  	[dreg:$0x0] =	wrdreg $0xFFFFFFFF;
	(pc) =	sbr.abs _section_cstart, $3  }
0xc0: {  	[dreg:$0x1] =	wrdreg $0xFFFFFFFF  }
0xc1: {  	_ =	task.clear_ibuf [dreg:s6], $0x2FFFF;
	_ =	strace $0x9FFFFFFF  }
0xc2: {  	(tm) =	ssettm $0x7FFFFFFF  }
0xc3: {  	_ =	shalt  }
tec
execute0_lowered:
.L_overlay_start_1:
0x0: {  	(tag) =	ssettag $0x1  }
0x1: {  	s6 =	rddreg [dreg:$0x0]  }
0x2: {  	s0 =	srdreg.scid;
	s2 =	rddreg [dreg:$0x1]  }
0x3: {  	s3 =	simm.s32 $0x0;
	s15 =	simm.s32 $0x2800;
	s16 =	simm.s32 $0x60  }
0x4: {  	s17 =	simm.s32 $0x6000;
	s18 =	simm.s32 $0x9000;
	s19 =	simm.s32 $0x1  }
0x5: {  	s20 =	simm.s32 $0x2;
	s21 =	simm.s32 $0x5C00;
	s22 =	simm.s32 $0x5C80  }
0x6: {  	s23 =	simm.s32 $0x0;
	s5 =	sand.u32 $0x1, s0;
	s0 =	stileid.u32  }
0x7: {  	[smem:$0x7FF] =	sst s3;
	s1 =	sshll.u32 s5, $0x4;
	s28 =	smul.u32 $0x13C00, s0  }
0x8: {  	s8 =	sshll.u32 s0, $0x7;
	s10 =	smul.u32 $0x13C000, s5;
	s5 =	ssub.s32 $0x2, s5  }
0x9: {  	s29 =	smul.u32 $0x4F000, s0;
	s31 =	sshll.u32 s0, $0x6;
	s4 =	sor.u32 s0, s1  }
0xa: {  	s1 =	rddreg [dreg:$0x2];
	s8 =	sand.u32 $0x380, s8;
	_ =	strace $0x80000047  }
0xb: {  	s12 =	sshrl.u32 s5, $0x1;
	s7 =	sshrl.u32 s4, $0x3;
	s9 =	smul.u32 $0x700, s4  }
0xc: {  	s4 =	sadd.s32 $0x1AC00, s6;
	s11 =	sshrl.u32 s28, $0x3;
	s12 =	ssub.s32 s5, s12  }
0xd: {  	s30 =	sshrl.u32 s29, $0x2;
	s7 =	smul.u32 $0x14000, s7;
	s11 =	sadd.s32 s11, s6  }
0xe: {  	s14 =	sadd.s32 s30, s2;
	s9 =	sadd.s32 s9, s6;
	s5 =	sadd.s32 $0x42400, s11  }
0xf: {  	s11 =	sshrl.u32 s14, $0x3;
	s14 =	simm.s32 $0x400;
	s7 =	sor.u32 s8, s7  }
0x10: {  	s8 =	sadd.s32 s28, s10;
	s10 =	smax.u32 s12, $0x1;
	s7 =	sshrl.u32 s7, $0x3  }
0x11: {  	s12 =	simm.s32 $0x3;
	s8 =	sshrl.u32 s8, $0x3;
	s7 =	sadd.s32 s7, s6  }
0x12: {  	s13 =	sadd.s32 s8, s6;
	s6 =	sor.u32 $0x1C03, s31;
	s8 =	sadd.s32 $0x2C00, s9  }
0x13: {  	s7 =	sadd.s32 $0x10C00, s7;
	s9 =	sadd.s32 $0x69C00, s13;
	s13 =	simm.s32 $0x80  }
.LBB2_1:
0x14: {  	[spmem:s11], [sflag:s6] =	dma.local [hbm:s5], $0x2780  }
0x15: {  	_ =	swait.ge [sflag:s12], $0x2780  }
0x16: {  	[sflag:s12] =	ssyncset.done $0x0  }
0x17: {  	[sflag:s12] =	ssyncadd.s32 $0xFFFFD880  }
0x18: {  	[tilespmem:s3], [sflag:$0x3] =	stream.strided.gather [hbm4b:s7+s13], $0x2800, s14, s13, $0x38;
	[tilespmem:$0x1FC00] =	vst v63  }
0x19: {  	_ =	swait.ge [sflag:s12], $0x2800  }
0x1a: {  	[sflag:s12] =	ssyncset.done $0x0  }
0x1b: {  	[sflag:s12] =	ssyncadd.s32 $0xFFFFD800  }
0x1c: {  	[tilespmem:s15], [sflag:$0x3] =	stream.linear.gather [hbm4b:s8+s3], $0x3500, $0x38;
	[tilespmem:$0x1FC00] =	vst v63  }
0x1d: {  	_ =	swait.ge [sflag:s12], $0x3500  }
0x1e: {  	[sflag:s12] =	ssyncset.done $0x0  }
0x1f: {  	[sflag:s12] =	ssyncadd.s32 $0xFFFFCB00  }
0x20: {  	[bflag:$0x0] =	sbarrier.arrive $0xFFFF  }
0x21: {  	[tilespmem:s17], [sflag:$0x1] =	stream.indirect.gather [hbm4b:s4+s16], $0x80, s3, s16, $0xb8;
	[tilespmem:$0x1FC00] =	vst v63  }
0x22: {  	_ = 	snop  }
0x23: {  	[tilespmem:s18], [sflag:$0x2] =	stream.indirect.gather [hbm4b:s4+s16], $0x80, s16, s16, $0xb8;
	[tilespmem:$0x1FC00] =	vst v63  }
0x24: {  	_ =	swait.ge [sflag:s19], $0x3000  }
0x25: {  	[sflag:s19] =	ssyncset.done $0x0  }
0x26: {  	s24 =	simm.s32 $0x2800;
	[sflag:s19] =	ssyncadd.s32 $0xFFFFD000  }
0x27: {  	[spmem:s2] =	stream.indirect.scatter.add.f32 [tilespmem:s17], [sflag:$0x3], $0x80, s24, s16, $0xb8;
	[tilespmem:$0x1FC00] =	vst v63  }
0x28: {  	_ =	swait.ge [sflag:s12], $0x3000  }
0x29: {  	[sflag:s12] =	ssyncset.done $0x0  }
0x2a: {  	s30 =	simm.s32 $0xC0;
	[sflag:s12] =	ssyncadd.s32 $0xFFFFD000  }
0x2b: {  	[tilespmem:s17], [sflag:$0x1] =	stream.indirect.gather [hbm4b:s4+s16], $0x80, s30, s16, $0xb8;
	[tilespmem:$0x1FC00] =	vst v63  }
0x2c: {  	_ =	swait.ge [sflag:s20], $0x3000  }
0x2d: {  	[sflag:s20] =	ssyncset.done $0x0  }
0x2e: {  	s31 =	simm.s32 $0x2880;
	[sflag:s20] =	ssyncadd.s32 $0xFFFFD000  }
0x2f: {  	[spmem:s2] =	stream.indirect.scatter.add.f32 [tilespmem:s18], [sflag:$0x3], $0x80, s31, s16, $0xb8;
	[tilespmem:$0x1FC00] =	vst v63  }
0x30: {  	_ =	swait.ge [sflag:s12], $0x3000  }
0x31: {  	s25 =	simm.s32 $0x400;
	[sflag:s12] =	ssyncset.done $0x0  }
0x32: {  	s26 =	simm.s32 $0x1E0;
	s24 =	simm.s32 $0x120;
	[sflag:s12] =	ssyncadd.s32 $0xFFFFD000  }
.LBB2_2:
0x33: {  	[tilespmem:s18], [sflag:$0x2] =	stream.indirect.gather [hbm4b:s4+s16], $0x80, s24, s16, $0xb8;
	[tilespmem:$0x1FC00] =	vst v63  }
0x34: {  	s28 =	smov.u32 s25;
	s24 =	smov.u32 s26  }
0x35: {  	p0 =	sne.s32 s25, $0xCC00;
	s25 =	sadd.s32 $0x400, s25;
	_ =	swait.ge [sflag:s19], $0x3000  }
0x36: {  	s28 =	sshra.s32 s28, $0x2;
	[sflag:s19] =	ssyncset.done $0x0  }
0x37: {  	s29 =	sadd.s32 $0x2800, s28;
	[sflag:s19] =	ssyncadd.s32 $0xFFFFD000  }
0x38: {  	[spmem:s2] =	stream.indirect.scatter.add.f32 [tilespmem:s17], [sflag:$0x3], $0x80, s29, s16, $0xb8;
	[tilespmem:$0x1FC00] =	vst v63  }
0x39: {  	_ =	swait.ge [sflag:s12], $0x3000  }
0x3a: {  	[sflag:s12] =	ssyncset.done $0x0  }
0x3b: {  	s29 =	sadd.s32 $0xFFFFFFA0, s26;
	[sflag:s12] =	ssyncadd.s32 $0xFFFFD000  }
0x3c: {  	[tilespmem:s17], [sflag:$0x1] =	stream.indirect.gather [hbm4b:s4+s16], $0x80, s29, s16, $0xb8;
	[tilespmem:$0x1FC00] =	vst v63  }
0x3d: {  	_ =	swait.ge [sflag:s20], $0x3000  }
0x3e: {  	[sflag:s20] =	ssyncset.done $0x0  }
.Ltmp0:
0x3f: {  	s28 =	sadd.s32 $0x2880, s28;
	[sflag:s20] =	ssyncadd.s32 $0xFFFFD000;
	(pc) =	sbr.rel @p0 .LBB2_2-.Ltmp0, $4  }
0x40: {  	[spmem:s2] =	stream.indirect.scatter.add.f32 [tilespmem:s18], [sflag:$0x3], $0x80, s28, s16, $0xb8;
	[tilespmem:$0x1FC00] =	vst v63  }
0x41: {  	_ =	swait.ge [sflag:s12], $0x3000  }
0x42: {  	[sflag:s12] =	ssyncset.done $0x0  }
0x43: {  	s26 =	sadd.s32 $0xC0, s26;
	[sflag:s12] =	ssyncadd.s32 $0xFFFFD000  }
0x44: {  	[tilespmem:s18], [sflag:$0x2] =	stream.indirect.gather [hbm4b:s4+s16], $0x80, s24, s16, $0xb8;
	[tilespmem:$0x1FC00] =	vst v63  }
0x45: {  	_ =	swait.ge [sflag:s19], $0x3000  }
0x46: {  	[sflag:s19] =	ssyncset.done $0x0  }
0x47: {  	[sflag:s19] =	ssyncadd.s32 $0xFFFFD000  }
0x48: {  	[spmem:s2] =	stream.indirect.scatter.add.f32 [tilespmem:s17], [sflag:$0x3], $0x80, s21, s16, $0xb8;
	[tilespmem:$0x1FC00] =	vst v63  }
0x49: {  	_ =	swait.ge [sflag:s12], $0x3000  }
0x4a: {  	[sflag:s12] =	ssyncset.done $0x0  }
0x4b: {  	[sflag:s12] =	ssyncadd.s32 $0xFFFFD000  }
0x4c: {  	_ =	swait.ge [sflag:s20], $0x3000  }
0x4d: {  	[sflag:s20] =	ssyncset.done $0x0  }
0x4e: {  	[sflag:s20] =	ssyncadd.s32 $0xFFFFD000  }
0x4f: {  	[spmem:s2] =	stream.indirect.scatter.add.f32 [tilespmem:s18], [sflag:$0x3], $0x80, s22, s16, $0xb8;
	[tilespmem:$0x1FC00] =	vst v63  }
0x50: {  	_ =	swait.ge [sflag:s12], $0x3000  }
0x51: {  	s23 =	sadd.s32 $0x1, s23;
	[sflag:s12] =	ssyncset.done $0x0  }
0x52: {  	p0 =	sne.s32 s23, s10;
	[sflag:s12] =	ssyncadd.s32 $0xFFFFD000  }
.Ltmp1:
0x53: {  	[bflag:$0x0] =	sbarrier.arrive $0xFFFF;
	(pc) =	sbr.rel @p0 .LBB2_1-.Ltmp1, $4  }
0x54: {  	[hbm:s9], [sflag:s6] =	dma.local [spmem:s11], $0x2780  }
0x55: {  	_ =	swait.ge [sflag:s12], $0x2780  }
0x56: {  	[sflag:s12] =	ssyncset.done $0x0  }
0x57: {  	[sflag:s12] =	ssyncadd.s32 $0xFFFFD880  }
0x58: {  	_ =	sfence.sel $0x180000  }
0x59: {  	[bflag:$0x0] =	sbarrier.arrive $0xFFFF  }
0x5a: {  	p0 =	sne.s32 s0, $0x0;
	_ =	strace $0x90000047  }
0x5b: {  	s0 =	sadd.s32 @!p0 $0x100000, s1;
	[bflag:$0x2] =	sbarrier.arrive $0xFFFF  }
0x5c: {  	[sflag:s0] =	ssyncadd.tile.s32 @!p0 $0x1;
	_ =	shalt  }
.Lfunc_end2:
_tile_overlayer_lowered:
.L_overlay_start_2:
0x5d: {  	(tag) =	ssettag $0x2  }
0x5e: {  	s0 =	rddreg [dreg:$0x0];
	s2 =	stileid.u32  }
0x5f: {  	s1 =	rddreg [dreg:$0x1];
	p0 =	sne.s32 s2, $0x0  }
0x60: {  	s3 =	rddreg [dreg:$0x2];
	[bflag:$0x3] =	sbarrier.arrive $0xFFFF;
	s2 =	simm.s32 @!p0 $0x1C03  }
0x61: {  	[timem:s3], [sflag:s2] =	dma.local @!p0 [hbm:s0], s1  }
0x62: {  	s0 =	simm.s32 @!p0 $0x3  }
0x63: {  	_ =	swait.ge @!p0 [sflag:s0], s1  }
0x64: {  	s1 =	ssub.s32 @!p0 $0x0, s1;
	[sflag:s0] =	ssyncset.done @!p0 $0x0  }
0x65: {  	[sflag:s0] =	ssyncadd.s32 @!p0 s1  }
0x66: {  	[bflag:$0x3] =	sbarrier.arrive $0xFFFF  }
0x67: {  	_ =	shalt  }

</sc_bundles>
